<compile_context>
chip_gen: v7x
topology: tpu7x:2x2x1
jax: 0.10.2.dev20260603
libtpu: 0.0.44.dev20260713+nightly
codegen_flags: <defaults>
</compile_context>

<pallas_src>
import jax
import jax.numpy as jnp
from jax import lax
from jax.experimental import pallas as pl
from jax.experimental.pallas import tpu as pltpu
from jax.experimental.pallas import tpu_sc as plsc

U, P, N, D, C, O = 256, 256, 1024, 128, 256, 128
NC, NS = 2, 16
NW = NC * NS
NSH = 4
NBS = NW // NSH
BSH = U // NBS
SSH = N // NSH
ASH = P // NSH
NEG = -3.0e38


def _shard_pool(coords, c0, npsh, rows, nvec, boxcol0, ubv, accref, cntv):
    lanes = lax.iota(jnp.int32, 16)

    def box_body(b, carry):
        col = boxcol0 + b
        sc_ = [ubv[d_, pl.ds(col, 16)][0] for d_ in range(6)]
        lox = jnp.full((16,), sc_[0] - 0.5 * sc_[3], jnp.float32)
        hix = jnp.full((16,), sc_[0] + 0.5 * sc_[3], jnp.float32)
        loy = jnp.full((16,), sc_[1] - 0.5 * sc_[4], jnp.float32)
        hiy = jnp.full((16,), sc_[1] + 0.5 * sc_[4], jnp.float32)
        loz = jnp.full((16,), sc_[2] - 0.5 * sc_[5], jnp.float32)
        hiz = jnp.full((16,), sc_[2] + 0.5 * sc_[5], jnp.float32)
        acc0 = tuple(jnp.full((32,), 0x03FF, jnp.uint16) for _ in range(nvec))

        def sg_body(sg2, cnt_acc):
            ms, nps = [], []
            for h in range(4):
                off = c0 + sg2 * 64 + h * 16
                xv = coords[0, pl.ds(off, 16)]
                yv = coords[1, pl.ds(off, 16)]
                zv = coords[2, pl.ds(off, 16)]
                m = ((xv >= lox) & (hix >= xv) & (yv >= loy) & (hiy >= yv)
                     & (zv >= loz) & (hiz >= zv))
                ms.append(m)
                nps.append(plsc.all_reduce_population_count(m)[0])

            def walk_h(h, carry):
                def walk(_, wc):
                    mc = wc[0]
                    lane = plsc.all_reduce_ffs(mc)[0]
                    srow = sg2 * 64 + h * 16 + lane
                    newav = tuple(
                        jnp.maximum(wc[1 + jj],
                                    rows[srow, pl.ds(32 * jj, 32)])
                        for jj in range(nvec))
                    return (mc & (lanes != jnp.full((16,), lane, jnp.int32)),
                            *newav)

                wc = lax.fori_loop(0, nps[h], walk, (ms[h],) + carry)
                return wc[1:]

            av = cnt_acc[1:]
            for h in range(4):
                av = walk_h(h, av)
            return (cnt_acc[0] + nps[0] + nps[1] + nps[2] + nps[3], *av)

        out = lax.fori_loop(0, npsh // 64, sg_body, (jnp.int32(0),) + acc0)
        for jj in range(nvec):
            accref[b, pl.ds(32 * jj, 32)] = out[1 + jj]
        cntv[pl.ds(b, 16)] = jnp.full((16,), out[0].astype(jnp.float32))
        return carry

    lax.fori_loop(0, BSH, box_body, jnp.int32(0))


def _sc_pool(ub_hbm, sxyz_hbm, sf_hbm, g1p_hbm, c1p_hbm,
             ubv, sxv, rows1, acc1, cntv, sem1):
    wid = lax.axis_index("s") * NC + lax.axis_index("c")
    ish = wid // NBS
    jsh = wid % NBS
    cp1 = pltpu.make_async_copy(sf_hbm.at[pl.ds(ish * SSH, SSH)], rows1, sem1)
    cp1.start()
    pltpu.sync_copy(ub_hbm, ubv)
    pltpu.sync_copy(sxyz_hbm, sxv.at[pl.ds(0, 3)])
    cp1.wait()
    _shard_pool(sxv, ish * SSH, SSH, rows1, C // 32, jsh * BSH, ubv,
                acc1, cntv)
    pltpu.sync_copy(acc1, g1p_hbm.at[pl.ds(wid * BSH, BSH)])
    pltpu.sync_copy(cntv.at[pl.ds(0, BSH)],
                    c1p_hbm.at[pl.ds(wid * BSH, BSH)])



_sc_pool_call = pl.kernel(
    _sc_pool,
    out_type=[
        jax.ShapeDtypeStruct((NSH * U, C), jnp.uint16),
        jax.ShapeDtypeStruct((NSH * U,), jnp.float32),
    ],
    mesh=plsc.VectorSubcoreMesh(core_axis_name="c", subcore_axis_name="s",
                                num_cores=NC, num_subcores=NS),
    compiler_params=pltpu.CompilerParams(needs_layout_passes=False,
                                         use_tc_tiling_on_sc=False),
    scratch_types=[
        pltpu.VMEM((6, U), jnp.float32),
        pltpu.VMEM((4, N), jnp.float32),
        pltpu.VMEM((SSH, C), jnp.uint16),
        pltpu.VMEM((BSH, C), jnp.uint16),
        pltpu.VMEM((BSH + 16,), jnp.float32),
        pltpu.SemaphoreType.DMA,
    ],
)


AGG_UB = 8


def _agg_pool_body(ub_ref, axyz_ref, bf_ref, g2_ref):
    ubb = ub_ref[...]
    cmin = ubb[:, 0:3] - 0.5 * ubb[:, 3:6]
    cmax = ubb[:, 0:3] + 0.5 * ubb[:, 3:6]
    ax = axyz_ref[0:1, :]
    ay = axyz_ref[1:2, :]
    az = axyz_ref[2:3, :]
    bf = bf_ref[...]
    ma = ((ax >= cmin[:, 0:1]) & (cmax[:, 0:1] >= ax)
          & (ay >= cmin[:, 1:2]) & (cmax[:, 1:2] >= ay)
          & (az >= cmin[:, 2:3]) & (cmax[:, 2:3] >= az))
    for b in range(AGG_UB):
        t2 = jnp.where(ma[b:b + 1, :], bf, 0.0)
        g2_ref[b, :, :] = jnp.max(t2, axis=1, keepdims=True).reshape(1, D)


def _head_body(g1p_ref, g2_ref, c1t_ref, bfu_ref, w_ref, b_ref,
               out_ref):
    def shard_max(ref):
        ki = ref[...].astype(jnp.int32)
        a = jnp.maximum(ki[0:U, :], ki[U:2 * U, :])
        bm = jnp.maximum(ki[2 * U:3 * U, :], ki[3 * U:4 * U, :])
        k = jnp.maximum(a, bm)
        fb = jnp.where(k >= 32768, k - 32768, 65535 - k)
        s = fb >> 15
        e = (fb >> 10) & 31
        m = fb & 1023
        norm = lax.bitcast_convert_type(
            (s << 31) | ((e + 112) << 23) | (m << 13), jnp.float32)
        sub = m.astype(jnp.float32) * jnp.float32(5.9604644775390625e-08)
        sub = jnp.where(s == 1, -sub, sub)
        return jnp.where(e == 0, sub, norm)

    g1 = shard_max(g1p_ref)
    g2 = g2_ref[...]
    c1 = jnp.sum(c1t_ref[...], axis=1, keepdims=True)
    g1 = jnp.maximum(g1, jnp.where(c1 < float(N), 0.0, NEG))
    w = w_ref[...]
    dn = (((1,), (1,)), ((), ()))
    acc = lax.dot_general(g1, w[:, :C], dn, preferred_element_type=jnp.float32)
    acc = acc + lax.dot_general(g2, w[:, C:C + D], dn,
                                preferred_element_type=jnp.float32)
    acc = acc + lax.dot_general(bfu_ref[...], w[:, C + D:], dn,
                                preferred_element_type=jnp.float32)
    a = jnp.abs(acc + b_ref[...] + 1e-6)
    out_ref[...] = a / (1.0 + a)


def kernel(union_box, box_features, agg_xyz, seed_feature, seed_xyz,
           box_feature_union, W, b):
    ub_cols = union_box[0].T
    sxyzT = seed_xyz.T
    axyzT = agg_xyz.T
    def enc(x):
        b = lax.bitcast_convert_type(x.astype(jnp.float16),
                                     jnp.uint16).astype(jnp.int32)
        k = jnp.where(b >= 32768, 65535 - b, b + 32768)
        return k.astype(jnp.uint16)

    g1p, c1p = _sc_pool_call(ub_cols, sxyzT, enc(seed_feature).T)
    ubpad = jnp.pad(union_box[0], ((0, 0), (0, 2)))
    bfT = box_features.astype(jnp.float16).astype(jnp.float32).T
    g2 = pl.pallas_call(
        _agg_pool_body,
        grid=(U // AGG_UB,),
        in_specs=[
            pl.BlockSpec((AGG_UB, 8), lambda u: (u, 0)),
            pl.BlockSpec((8, P), lambda u: (0, 0)),
            pl.BlockSpec((D, P), lambda u: (0, 0)),
        ],
        out_specs=pl.BlockSpec((AGG_UB, 1, D), lambda u: (u, 0, 0)),
        out_shape=jax.ShapeDtypeStruct((U, 1, D), jnp.float32),
    )(ubpad, jnp.pad(axyzT, ((0, 5), (0, 0))), bfT).reshape(U, D)
    c1t = c1p.reshape(NSH, U).T
    bfu = box_feature_union[:, 0, :]
    out = pl.pallas_call(
        _head_body,
        out_shape=jax.ShapeDtypeStruct((U, O), jnp.float32),
    )(g1p, g2, c1t, bfu, W, b.reshape(1, O))
    return out

# --- scband reference (transcript-rebuilt; emitter-appended) ---
"""Pipeline reference for scband-scene-box-emb-17712445129342 (READ-ONLY COPY).

The authoritative reference and input builder live on the scoring server;
editing this copy changes nothing except your own understanding.
"""

import jax, jax.numpy as jnp
import numpy as np

OUT_DIM = 128

def setup_inputs(seed: int = 0) -> dict:
    key = jax.random.key(seed)
    ks = jax.random.split(key, 8)
    union_box = jax.random.uniform(ks[0], (1, 256, 6), dtype=jnp.float32)
    box_features = jax.random.normal(ks[1], (256, 128), dtype=jnp.float32)
    agg_xyz = jax.random.uniform(ks[2], (256, 3), dtype=jnp.float32)
    seed_feature = jax.random.normal(ks[3], (256, 1024), dtype=jnp.float32)
    seed_xyz = jax.random.uniform(ks[4], (1024, 3), dtype=jnp.float32)
    box_feature_union = jax.random.normal(ks[5], (256, 1, 128), dtype=jnp.float32)
    W = jax.random.normal(ks[6], (OUT_DIM, 512), dtype=jnp.float32) * 0.04
    b = jnp.zeros((OUT_DIM,), dtype=jnp.float32)
    return {"union_box": union_box, "box_features": box_features, "agg_xyz": agg_xyz,
            "seed_feature": seed_feature, "seed_xyz": seed_xyz,
            "box_feature_union": box_feature_union, "W": W, "b": b}

def reference(union_box, box_features, agg_xyz, seed_feature, seed_xyz, box_feature_union, W, b):
    ub = union_box[0]  # [U, 6]
    bomin = ub[:, :3] - 0.5 * ub[:, 3:6]
    bomax = ub[:, :3] + 0.5 * ub[:, 3:6]
    # which proposals (agg_xyz) fall inside each union box
    bo1 = agg_xyz[None, :, :3] >= bomin[:, None, :]
    bo2 = bomax[:, None, :] >= agg_xyz[None, :, :3]
    bo = jnp.sum(jnp.concatenate([bo1, bo2], axis=2), axis=2)  # [U, P]
    mask_a = bo > 5
    # masked scatter of box_features into agg_f (equiv. to agg_f[ids0, ids1, :] = box_features[ids1])
    agg_f = jnp.where(mask_a[:, :, None], box_features[None, :, :].astype(jnp.float16), jnp.float16(0))  # [U, P, D]
    g_features_2 = jnp.max(agg_f, axis=1)[:, :, None]  # max_pool1d over P -> [U, D, 1]
    # which seeds fall inside each union box
    po1 = seed_xyz[None, :, :3] >= bomin[:, None, :]
    po2 = bomax[:, None, :] >= seed_xyz[None, :, :3]
    po = jnp.sum(jnp.concatenate([po1, po2], axis=2), axis=2)  # [U, N]
    mask_s = po > 5
    # vectorized branch (U <= 750): masked scatter of seed_feature.T into vote_f
    vote_f = jnp.where(mask_s[:, :, None], jnp.transpose(seed_feature, (1, 0))[None, :, :].astype(jnp.float16), jnp.float16(0))  # [U, N, C]
    g_features_1 = jnp.max(vote_f, axis=1)[:, :, None]  # [U, C, 1]
    global_feat = jnp.concatenate([g_features_1, g_features_2], axis=1).astype(jnp.float32)  # [U, C+D, 1]
    global_features = jnp.concatenate([global_feat, jnp.transpose(box_feature_union, (0, 2, 1))], axis=1)  # [U, 512, 1]
    out = jnp.einsum('oc,ucl->uol', W, global_features) + b[None, :, None]  # Conv1d(512, OUT_DIM, 1)
    out = jax.nn.sigmoid(jnp.log(jnp.abs(out + 1e-6)))
    return jnp.squeeze(out, -1)  # [U, OUT_DIM]

if __name__ == "__main__":
    import jax
    _d = setup_inputs()
    print(jax.jit(kernel)(*tuple(_d.values())))

</pallas_src>

<mosaic_0001>
#map = affine_map<(d0, d1) -> (0, 0)>
#map1 = affine_map<(d0, d1) -> (0)>
module attributes {stable_mosaic.version = 14 : i64} {
  func.func @_sc_pool(%arg0: i32, %arg1: i32, %arg2: memref<6x256xf32, #tpu.memory_space<hbm>>, %arg3: memref<3x1024xf32, #tpu.memory_space<hbm>>, %arg4: memref<1024x256xi16, #tpu.memory_space<hbm>>, %arg5: memref<1024x256xi16, #tpu.memory_space<hbm>>, %arg6: memref<1024xf32, #tpu.memory_space<hbm>>, %arg7: memref<6x256xf32, #tpu.memory_space<vmem>>, %arg8: memref<4x1024xf32, #tpu.memory_space<vmem>>, %arg9: memref<256x256xi16, #tpu.memory_space<vmem>>, %arg10: memref<32x256xi16, #tpu.memory_space<vmem>>, %arg11: memref<48xf32, #tpu.memory_space<vmem>>, %arg12: memref<!tpu.dma_semaphore, #tpu.memory_space<semaphore_mem>>) attributes {dimension_semantics = [#tpu.dimension_semantics<core_parallel>, #tpu.dimension_semantics<subcore_parallel>], iteration_bounds = array<i64: 2, 16>, scalar_prefetch = 0 : i64, scratch_operands = 6 : i64, tpu.core_type = #tpu.core_type<sc_vector_subcore>, window_params = [{transform_indices = #map}, {transform_indices = #map}, {transform_indices = #map}, {transform_indices = #map}, {transform_indices = #map1}]} {
    %mul3A = arith.constant 2 : i32
    %mul3A_0 = arith.muli %arg1, %mul3A : i32
    %add3A = arith.addi %mul3A_0, %arg0 : i32
    %jit3A = arith.constant 8 : i32
    %div3A = arith.divsi %add3A, %jit3A : i32
    %sign3A = arith.constant 0 : i32
    %sign3A_1 = arith.cmpi sgt, %add3A, %sign3A : i32
    %sign3A_2 = arith.extui %sign3A_1 : i1 to i32
    %sign3A_3 = arith.constant 0 : i32
    %sign3A_4 = arith.cmpi slt, %add3A, %sign3A_3 : i32
    %sign3A_5 = arith.extui %sign3A_4 : i1 to i32
    %sign3A_6 = arith.subi %sign3A_2, %sign3A_5 : i32
    %sign3A_7 = arith.constant 0 : i32
    %sign3A_8 = arith.cmpi sgt, %jit3A, %sign3A_7 : i32
    %sign3A_9 = arith.extui %sign3A_8 : i1 to i32
    %sign3A_10 = arith.constant 0 : i32
    %sign3A_11 = arith.cmpi slt, %jit3A, %sign3A_10 : i32
    %sign3A_12 = arith.extui %sign3A_11 : i1 to i32
    %sign3A_13 = arith.subi %sign3A_9, %sign3A_12 : i32
    %ne3A = arith.cmpi ne, %sign3A_6, %sign3A_13 : i32
    %rem3A = arith.remsi %add3A, %jit3A : i32
    %ne3A_14 = arith.constant 0 : i32
    %ne3A_15 = arith.cmpi ne, %rem3A, %ne3A_14 : i32
    %and3A = arith.andi %ne3A, %ne3A_15 : i1
    %sub3A = arith.constant 1 : i32
    %sub3A_16 = arith.subi %div3A, %sub3A : i32
    %select_n3A = arith.select %and3A, %sub3A_16, %div3A : i32
    %jit3A_17 = arith.constant 8 : i32
    %eq3A = arith.constant 0 : i32
    %eq3A_18 = arith.cmpi eq, %jit3A_17, %eq3A : i32
    %jit3A_19 = arith.constant 1 : i32
    %select_n3A_20 = arith.select %eq3A_18, %jit3A_19, %jit3A_17 : i32
    %rem3A_21 = arith.remsi %add3A, %select_n3A_20 : i32
    %ne3A_22 = arith.constant 0 : i32
    %ne3A_23 = arith.cmpi ne, %rem3A_21, %ne3A_22 : i32
    %lt3A = arith.constant 0 : i32
    %lt3A_24 = arith.cmpi slt, %rem3A_21, %lt3A : i32
    %lt3A_25 = arith.constant 0 : i32
    %lt3A_26 = arith.cmpi slt, %select_n3A_20, %lt3A_25 : i32
    %ne3A_27 = arith.xori %lt3A_24, %lt3A_26 : i1
    %and3A_28 = arith.andi %ne3A_27, %ne3A_23 : i1
    %add3A_29 = arith.addi %rem3A_21, %select_n3A_20 : i32
    %select_n3A_30 = arith.select %and3A_28, %add3A_29, %rem3A_21 : i32
    %mul3A_31 = arith.constant 256 : i32
    %mul3A_32 = arith.muli %select_n3A, %mul3A_31 : i32
    %dma_start3A = arith.constant 0 : i32
    %dma_start3A_33 = tpu.memref_slice %arg4[%mul3A_32, %dma_start3A] : memref<1024x256xi16, #tpu.memory_space<hbm>> -> memref<256x256xi16, #tpu.memory_space<hbm>>
    %dma_start3A_34 = arith.constant 0 : i32
    %dma_start3A_35 = tpu.memref_slice %arg4[%mul3A_32, %dma_start3A_34] : memref<1024x256xi16, #tpu.memory_space<hbm>> -> memref<256x256xi16, #tpu.memory_space<hbm>>
    tpu.enqueue_dma source(%dma_start3A_35 : memref<256x256xi16, #tpu.memory_space<hbm>>) target(%arg9 : memref<256x256xi16, #tpu.memory_space<vmem>>) target_semaphore(%arg12 : memref<!tpu.dma_semaphore, #tpu.memory_space<semaphore_mem>>)
    "tpu.region"() ({
      %run_scoped3A = tpu.sem_alloc : memref<!tpu.dma_semaphore, #tpu.memory_space<semaphore_mem>>
      tpu.enqueue_dma source(%arg2 : memref<6x256xf32, #tpu.memory_space<hbm>>) target(%arg7 : memref<6x256xf32, #tpu.memory_space<vmem>>) target_semaphore(%run_scoped3A : memref<!tpu.dma_semaphore, #tpu.memory_space<semaphore_mem>>)
      tpu.wait_dma2 semaphore(%run_scoped3A : memref<!tpu.dma_semaphore, #tpu.memory_space<semaphore_mem>>) src(%arg2 : memref<6x256xf32, #tpu.memory_space<hbm>>) dst(%arg7 : memref<6x256xf32, #tpu.memory_space<vmem>>)
      tpu.yield
    }) : () -> ()
    "tpu.region"() ({
      %run_scoped3A = tpu.sem_alloc : memref<!tpu.dma_semaphore, #tpu.memory_space<semaphore_mem>>
      %dma_start3A_52 = arith.constant 0 : i32
      %dma_start3A_53 = arith.constant 0 : i32
      %dma_start3A_54 = tpu.memref_slice %arg8[%dma_start3A_52, %dma_start3A_53] : memref<4x1024xf32, #tpu.memory_space<vmem>> -> memref<3x1024xf32, #tpu.memory_space<vmem>>
      %dma_start3A_55 = arith.constant 0 : i32
      %dma_start3A_56 = arith.constant 0 : i32
      %dma_start3A_57 = tpu.memref_slice %arg8[%dma_start3A_55, %dma_start3A_56] : memref<4x1024xf32, #tpu.memory_space<vmem>> -> memref<3x1024xf32, #tpu.memory_space<vmem>>
      tpu.enqueue_dma source(%arg3 : memref<3x1024xf32, #tpu.memory_space<hbm>>) target(%dma_start3A_57 : memref<3x1024xf32, #tpu.memory_space<vmem>>) target_semaphore(%run_scoped3A : memref<!tpu.dma_semaphore, #tpu.memory_space<semaphore_mem>>)
      %dma_wait3A_58 = arith.constant 0 : i32
      %dma_wait3A_59 = arith.constant 0 : i32
      %dma_wait3A_60 = tpu.memref_slice %arg8[%dma_wait3A_58, %dma_wait3A_59] : memref<4x1024xf32, #tpu.memory_space<vmem>> -> memref<3x1024xf32, #tpu.memory_space<vmem>>
      %dma_wait3A_61 = arith.constant 0 : i32
      %dma_wait3A_62 = arith.constant 0 : i32
      %dma_wait3A_63 = tpu.memref_slice %arg8[%dma_wait3A_61, %dma_wait3A_62] : memref<4x1024xf32, #tpu.memory_space<vmem>> -> memref<3x1024xf32, #tpu.memory_space<vmem>>
      tpu.wait_dma2 semaphore(%run_scoped3A : memref<!tpu.dma_semaphore, #tpu.memory_space<semaphore_mem>>) src(%arg3 : memref<3x1024xf32, #tpu.memory_space<hbm>>) dst(%dma_wait3A_63 : memref<3x1024xf32, #tpu.memory_space<vmem>>)
      tpu.yield
    }) : () -> ()
    %dma_wait3A = arith.constant 0 : i32
    %dma_wait3A_36 = tpu.memref_slice %arg4[%mul3A_32, %dma_wait3A] : memref<1024x256xi16, #tpu.memory_space<hbm>> -> memref<256x256xi16, #tpu.memory_space<hbm>>
    %dma_wait3A_37 = arith.constant 0 : i32
    %dma_wait3A_38 = tpu.memref_slice %arg4[%mul3A_32, %dma_wait3A_37] : memref<1024x256xi16, #tpu.memory_space<hbm>> -> memref<256x256xi16, #tpu.memory_space<hbm>>
    tpu.wait_dma2 semaphore(%arg12 : memref<!tpu.dma_semaphore, #tpu.memory_space<semaphore_mem>>) src(%dma_wait3A_38 : memref<256x256xi16, #tpu.memory_space<hbm>>) dst(%arg9 : memref<256x256xi16, #tpu.memory_space<vmem>>)
    %mul3A_39 = arith.constant 256 : i32
    %mul3A_40 = arith.muli %select_n3A, %mul3A_39 : i32
    %mul3A_41 = arith.constant 32 : i32
    %mul3A_42 = arith.muli %select_n3A_30, %mul3A_41 : i32
    %iota3A = tpu.iota {dimensions = array<i32: 0>} : vector<16xi32>
    %scan3A = arith.constant 0 : i32
    %scan3A_43 = arith.constant 0 : i32
    %scan3A_44 = arith.constant 32 : i32
    %scan3A_45 = arith.addi %scan3A_43, %scan3A_44 : i32
    %scan3A_46 = arith.constant 1 : i32
    scf.for %scan3A_52 = %scan3A_43 to %scan3A_45 step %scan3A_46  : i32 {
      %add3A_53 = arith.addi %mul3A_42, %scan3A_52 : i32
      %get3A = arith.constant 0 : i32
      %get3A_54 = arith.index_cast %get3A : i32 to index
      %get3A_55 = arith.index_cast %add3A_53 : i32 to index
      %get3A_56 = tpu.vector_load %arg7[%get3A_54, %get3A_55] {strides = array<i32>} : memref<6x256xf32, #tpu.memory_space<vmem>>, vector<16xf32>,
      %slice3A = vector.extract_strided_slice %get3A_56 {offsets = [0], sizes = [1], strides = [1]} : vector<16xf32> to vector<1xf32>
      %squeeze3A = vector.extract %slice3A[0] : f32 from vector<1xf32>
      %get3A_57 = arith.constant 1 : i32
      %get3A_58 = arith.index_cast %get3A_57 : i32 to index
      %get3A_59 = arith.index_cast %add3A_53 : i32 to index
      %get3A_60 = tpu.vector_load %arg7[%get3A_58, %get3A_59] {strides = array<i32>} : memref<6x256xf32, #tpu.memory_space<vmem>>, vector<16xf32>,
      %slice3A_61 = vector.extract_strided_slice %get3A_60 {offsets = [0], sizes = [1], strides = [1]} : vector<16xf32> to vector<1xf32>
      %squeeze3A_62 = vector.extract %slice3A_61[0] : f32 from vector<1xf32>
      %get3A_63 = arith.constant 2 : i32
      %get3A_64 = arith.index_cast %get3A_63 : i32 to index
      %get3A_65 = arith.index_cast %add3A_53 : i32 to index
      %get3A_66 = tpu.vector_load %arg7[%get3A_64, %get3A_65] {strides = array<i32>} : memref<6x256xf32, #tpu.memory_space<vmem>>, vector<16xf32>,
      %slice3A_67 = vector.extract_strided_slice %get3A_66 {offsets = [0], sizes = [1], strides = [1]} : vector<16xf32> to vector<1xf32>
      %squeeze3A_68 = vector.extract %slice3A_67[0] : f32 from vector<1xf32>
      %get3A_69 = arith.constant 3 : i32
      %get3A_70 = arith.index_cast %get3A_69 : i32 to index
      %get3A_71 = arith.index_cast %add3A_53 : i32 to index
      %get3A_72 = tpu.vector_load %arg7[%get3A_70, %get3A_71] {strides = array<i32>} : memref<6x256xf32, #tpu.memory_space<vmem>>, vector<16xf32>,
      %slice3A_73 = vector.extract_strided_slice %get3A_72 {offsets = [0], sizes = [1], strides = [1]} : vector<16xf32> to vector<1xf32>
      %squeeze3A_74 = vector.extract %slice3A_73[0] : f32 from vector<1xf32>
      %get3A_75 = arith.constant 4 : i32
      %get3A_76 = arith.index_cast %get3A_75 : i32 to index
      %get3A_77 = arith.index_cast %add3A_53 : i32 to index
      %get3A_78 = tpu.vector_load %arg7[%get3A_76, %get3A_77] {strides = array<i32>} : memref<6x256xf32, #tpu.memory_space<vmem>>, vector<16xf32>,
      %slice3A_79 = vector.extract_strided_slice %get3A_78 {offsets = [0], sizes = [1], strides = [1]} : vector<16xf32> to vector<1xf32>
      %squeeze3A_80 = vector.extract %slice3A_79[0] : f32 from vector<1xf32>
      %get3A_81 = arith.constant 5 : i32
      %get3A_82 = arith.index_cast %get3A_81 : i32 to index
      %get3A_83 = arith.index_cast %add3A_53 : i32 to index
      %get3A_84 = tpu.vector_load %arg7[%get3A_82, %get3A_83] {strides = array<i32>} : memref<6x256xf32, #tpu.memory_space<vmem>>, vector<16xf32>,
      %slice3A_85 = vector.extract_strided_slice %get3A_84 {offsets = [0], sizes = [1], strides = [1]} : vector<16xf32> to vector<1xf32>
      %squeeze3A_86 = vector.extract %slice3A_85[0] : f32 from vector<1xf32>
      %mul3A_87 = arith.constant 5.000000e-01 : f32
      %mul3A_88 = arith.mulf %mul3A_87, %squeeze3A_74 : f32
      %sub3A_89 = arith.subf %squeeze3A, %mul3A_88 : f32
      %broadcast_in_dim3A = vector.broadcast %sub3A_89 : f32 to vector<16xf32>
      %mul3A_90 = arith.constant 5.000000e-01 : f32
      %mul3A_91 = arith.mulf %mul3A_90, %squeeze3A_74 : f32
      %add3A_92 = arith.addf %squeeze3A, %mul3A_91 : f32
      %broadcast_in_dim3A_93 = vector.broadcast %add3A_92 : f32 to vector<16xf32>
      %mul3A_94 = arith.constant 5.000000e-01 : f32
      %mul3A_95 = arith.mulf %mul3A_94, %squeeze3A_80 : f32
      %sub3A_96 = arith.subf %squeeze3A_62, %mul3A_95 : f32
      %broadcast_in_dim3A_97 = vector.broadcast %sub3A_96 : f32 to vector<16xf32>
      %mul3A_98 = arith.constant 5.000000e-01 : f32
      %mul3A_99 = arith.mulf %mul3A_98, %squeeze3A_80 : f32
      %add3A_100 = arith.addf %squeeze3A_62, %mul3A_99 : f32
      %broadcast_in_dim3A_101 = vector.broadcast %add3A_100 : f32 to vector<16xf32>
      %mul3A_102 = arith.constant 5.000000e-01 : f32
      %mul3A_103 = arith.mulf %mul3A_102, %squeeze3A_86 : f32
      %sub3A_104 = arith.subf %squeeze3A_68, %mul3A_103 : f32
      %broadcast_in_dim3A_105 = vector.broadcast %sub3A_104 : f32 to vector<16xf32>
      %mul3A_106 = arith.constant 5.000000e-01 : f32
      %mul3A_107 = arith.mulf %mul3A_106, %squeeze3A_86 : f32
      %add3A_108 = arith.addf %squeeze3A_68, %mul3A_107 : f32
      %broadcast_in_dim3A_109 = vector.broadcast %add3A_108 : f32 to vector<16xf32>
      %broadcast_in_dim3A_110 = arith.constant 1023 : i16
      %broadcast_in_dim3A_111 = vector.broadcast %broadcast_in_dim3A_110 : i16 to vector<32xi16>
      %broadcast_in_dim3A_112 = arith.constant 1023 : i16
      %broadcast_in_dim3A_113 = vector.broadcast %broadcast_in_dim3A_112 : i16 to vector<32xi16>
      %broadcast_in_dim3A_114 = arith.constant 1023 : i16
      %broadcast_in_dim3A_115 = vector.broadcast %broadcast_in_dim3A_114 : i16 to vector<32xi16>
      %broadcast_in_dim3A_116 = arith.constant 1023 : i16
      %broadcast_in_dim3A_117 = vector.broadcast %broadcast_in_dim3A_116 : i16 to vector<32xi16>
      %broadcast_in_dim3A_118 = arith.constant 1023 : i16
      %broadcast_in_dim3A_119 = vector.broadcast %broadcast_in_dim3A_118 : i16 to vector<32xi16>
      %broadcast_in_dim3A_120 = arith.constant 1023 : i16
      %broadcast_in_dim3A_121 = vector.broadcast %broadcast_in_dim3A_120 : i16 to vector<32xi16>
      %broadcast_in_dim3A_122 = arith.constant 1023 : i16
      %broadcast_in_dim3A_123 = vector.broadcast %broadcast_in_dim3A_122 : i16 to vector<32xi16>
      %broadcast_in_dim3A_124 = arith.constant 1023 : i16
      %broadcast_in_dim3A_125 = vector.broadcast %broadcast_in_dim3A_124 : i16 to vector<32xi16>
      %scan3A_126 = arith.constant 0 : i32
      %scan3A_127 = arith.constant 0 : i32
      %scan3A_128 = arith.constant 4 : i32
      %scan3A_129 = arith.addi %scan3A_127, %scan3A_128 : i32
      %scan3A_130 = arith.constant 1 : i32
      %scan3A_131:9 = scf.for %scan3A_159 = %scan3A_127 to %scan3A_129 step %scan3A_130 iter_args(%scan3A_160 = %scan3A_126, %scan3A_161 = %broadcast_in_dim3A_111, %scan3A_162 = %broadcast_in_dim3A_113, %scan3A_163 = %broadcast_in_dim3A_115, %scan3A_164 = %broadcast_in_dim3A_117, %scan3A_165 = %broadcast_in_dim3A_119, %scan3A_166 = %broadcast_in_dim3A_121, %scan3A_167 = %broadcast_in_dim3A_123, %scan3A_168 = %broadcast_in_dim3A_125) -> (i32, vector<32xi16>, vector<32xi16>, vector<32xi16>, vector<32xi16>, vector<32xi16>, vector<32xi16>, vector<32xi16>, vector<32xi16>)  : i32 {
        %mul3A_169 = arith.constant 64 : i32
        %mul3A_170 = arith.muli %scan3A_159, %mul3A_169 : i32
        %add3A_171 = arith.addi %mul3A_40, %mul3A_170 : i32
        %add3A_172 = arith.constant 0 : i32
        %add3A_173 = arith.addi %add3A_171, %add3A_172 : i32
        %get3A_174 = arith.constant 0 : i32
        %get3A_175 = arith.index_cast %get3A_174 : i32 to index
        %get3A_176 = arith.index_cast %add3A_173 : i32 to index
        %get3A_177 = tpu.vector_load %arg8[%get3A_175, %get3A_176] {strides = array<i32>} : memref<4x1024xf32, #tpu.memory_space<vmem>>, vector<16xf32>,
        %get3A_178 = arith.constant 1 : i32
        %get3A_179 = arith.index_cast %get3A_178 : i32 to index
        %get3A_180 = arith.index_cast %add3A_173 : i32 to index
        %get3A_181 = tpu.vector_load %arg8[%get3A_179, %get3A_180] {strides = array<i32>} : memref<4x1024xf32, #tpu.memory_space<vmem>>, vector<16xf32>,
        %get3A_182 = arith.constant 2 : i32
        %get3A_183 = arith.index_cast %get3A_182 : i32 to index
        %get3A_184 = arith.index_cast %add3A_173 : i32 to index
        %get3A_185 = tpu.vector_load %arg8[%get3A_183, %get3A_184] {strides = array<i32>} : memref<4x1024xf32, #tpu.memory_space<vmem>>, vector<16xf32>,
        %ge3A = arith.cmpf oge, %get3A_177, %broadcast_in_dim3A : vector<16xf32>
        %ge3A_186 = arith.cmpf oge, %broadcast_in_dim3A_93, %get3A_177 : vector<16xf32>
        %and3A_187 = arith.andi %ge3A, %ge3A_186 : vector<16xi1>
        %ge3A_188 = arith.cmpf oge, %get3A_181, %broadcast_in_dim3A_97 : vector<16xf32>
        %and3A_189 = arith.andi %and3A_187, %ge3A_188 : vector<16xi1>
        %ge3A_190 = arith.cmpf oge, %broadcast_in_dim3A_101, %get3A_181 : vector<16xf32>
        %and3A_191 = arith.andi %and3A_189, %ge3A_190 : vector<16xi1>
        %ge3A_192 = arith.cmpf oge, %get3A_185, %broadcast_in_dim3A_105 : vector<16xf32>
        %and3A_193 = arith.andi %and3A_191, %ge3A_192 : vector<16xi1>
        %ge3A_194 = arith.cmpf oge, %broadcast_in_dim3A_109, %get3A_185 : vector<16xf32>
        %and3A_195 = arith.andi %and3A_193, %ge3A_194 : vector<16xi1>
        %all_reduce_population_count3A = tpu.all_reduce %and3A_195 {dim = 0 : i64, kind = #tpu.reduction_kind<sum>} : vector<16xi1> -> vector<16xi32>
        %slice3A_196 = vector.extract_strided_slice %all_reduce_population_count3A {offsets = [0], sizes = [1], strides = [1]} : vector<16xi32> to vector<1xi32>
        %squeeze3A_197 = vector.extract %slice3A_196[0] : i32 from vector<1xi32>
        %mul3A_198 = arith.constant 64 : i32
        %mul3A_199 = arith.muli %scan3A_159, %mul3A_198 : i32
        %add3A_200 = arith.addi %mul3A_40, %mul3A_199 : i32
        %add3A_201 = arith.constant 16 : i32
        %add3A_202 = arith.addi %add3A_200, %add3A_201 : i32
        %get3A_203 = arith.constant 0 : i32
        %get3A_204 = arith.index_cast %get3A_203 : i32 to index
        %get3A_205 = arith.index_cast %add3A_202 : i32 to index
        %get3A_206 = tpu.vector_load %arg8[%get3A_204, %get3A_205] {strides = array<i32>} : memref<4x1024xf32, #tpu.memory_space<vmem>>, vector<16xf32>,
        %get3A_207 = arith.constant 1 : i32
        %get3A_208 = arith.index_cast %get3A_207 : i32 to index
        %get3A_209 = arith.index_cast %add3A_202 : i32 to index
        %get3A_210 = tpu.vector_load %arg8[%get3A_208, %get3A_209] {strides = array<i32>} : memref<4x1024xf32, #tpu.memory_space<vmem>>, vector<16xf32>,
        %get3A_211 = arith.constant 2 : i32
        %get3A_212 = arith.index_cast %get3A_211 : i32 to index
        %get3A_213 = arith.index_cast %add3A_202 : i32 to index
        %get3A_214 = tpu.vector_load %arg8[%get3A_212, %get3A_213] {strides = array<i32>} : memref<4x1024xf32, #tpu.memory_space<vmem>>, vector<16xf32>,
        %ge3A_215 = arith.cmpf oge, %get3A_206, %broadcast_in_dim3A : vector<16xf32>
        %ge3A_216 = arith.cmpf oge, %broadcast_in_dim3A_93, %get3A_206 : vector<16xf32>
        %and3A_217 = arith.andi %ge3A_215, %ge3A_216 : vector<16xi1>
        %ge3A_218 = arith.cmpf oge, %get3A_210, %broadcast_in_dim3A_97 : vector<16xf32>
        %and3A_219 = arith.andi %and3A_217, %ge3A_218 : vector<16xi1>
        %ge3A_220 = arith.cmpf oge, %broadcast_in_dim3A_101, %get3A_210 : vector<16xf32>
        %and3A_221 = arith.andi %and3A_219, %ge3A_220 : vector<16xi1>
        %ge3A_222 = arith.cmpf oge, %get3A_214, %broadcast_in_dim3A_105 : vector<16xf32>
        %and3A_223 = arith.andi %and3A_221, %ge3A_222 : vector<16xi1>
        %ge3A_224 = arith.cmpf oge, %broadcast_in_dim3A_109, %get3A_214 : vector<16xf32>
        %and3A_225 = arith.andi %and3A_223, %ge3A_224 : vector<16xi1>
        %all_reduce_population_count3A_226 = tpu.all_reduce %and3A_225 {dim = 0 : i64, kind = #tpu.reduction_kind<sum>} : vector<16xi1> -> vector<16xi32>
        %slice3A_227 = vector.extract_strided_slice %all_reduce_population_count3A_226 {offsets = [0], sizes = [1], strides = [1]} : vector<16xi32> to vector<1xi32>
        %squeeze3A_228 = vector.extract %slice3A_227[0] : i32 from vector<1xi32>
        %mul3A_229 = arith.constant 64 : i32
        %mul3A_230 = arith.muli %scan3A_159, %mul3A_229 : i32
        %add3A_231 = arith.addi %mul3A_40, %mul3A_230 : i32
        %add3A_232 = arith.constant 32 : i32
        %add3A_233 = arith.addi %add3A_231, %add3A_232 : i32
        %get3A_234 = arith.constant 0 : i32
        %get3A_235 = arith.index_cast %get3A_234 : i32 to index
        %get3A_236 = arith.index_cast %add3A_233 : i32 to index
        %get3A_237 = tpu.vector_load %arg8[%get3A_235, %get3A_236] {strides = array<i32>} : memref<4x1024xf32, #tpu.memory_space<vmem>>, vector<16xf32>,
        %get3A_238 = arith.constant 1 : i32
        %get3A_239 = arith.index_cast %get3A_238 : i32 to index
        %get3A_240 = arith.index_cast %add3A_233 : i32 to index
        %get3A_241 = tpu.vector_load %arg8[%get3A_239, %get3A_240] {strides = array<i32>} : memref<4x1024xf32, #tpu.memory_space<vmem>>, vector<16xf32>,
        %get3A_242 = arith.constant 2 : i32
        %get3A_243 = arith.index_cast %get3A_242 : i32 to index
        %get3A_244 = arith.index_cast %add3A_233 : i32 to index
        %get3A_245 = tpu.vector_load %arg8[%get3A_243, %get3A_244] {strides = array<i32>} : memref<4x1024xf32, #tpu.memory_space<vmem>>, vector<16xf32>,
        %ge3A_246 = arith.cmpf oge, %get3A_237, %broadcast_in_dim3A : vector<16xf32>
        %ge3A_247 = arith.cmpf oge, %broadcast_in_dim3A_93, %get3A_237 : vector<16xf32>
        %and3A_248 = arith.andi %ge3A_246, %ge3A_247 : vector<16xi1>
        %ge3A_249 = arith.cmpf oge, %get3A_241, %broadcast_in_dim3A_97 : vector<16xf32>
        %and3A_250 = arith.andi %and3A_248, %ge3A_249 : vector<16xi1>
        %ge3A_251 = arith.cmpf oge, %broadcast_in_dim3A_101, %get3A_241 : vector<16xf32>
        %and3A_252 = arith.andi %and3A_250, %ge3A_251 : vector<16xi1>
        %ge3A_253 = arith.cmpf oge, %get3A_245, %broadcast_in_dim3A_105 : vector<16xf32>
        %and3A_254 = arith.andi %and3A_252, %ge3A_253 : vector<16xi1>
        %ge3A_255 = arith.cmpf oge, %broadcast_in_dim3A_109, %get3A_245 : vector<16xf32>
        %and3A_256 = arith.andi %and3A_254, %ge3A_255 : vector<16xi1>
        %all_reduce_population_count3A_257 = tpu.all_reduce %and3A_256 {dim = 0 : i64, kind = #tpu.reduction_kind<sum>} : vector<16xi1> -> vector<16xi32>
        %slice3A_258 = vector.extract_strided_slice %all_reduce_population_count3A_257 {offsets = [0], sizes = [1], strides = [1]} : vector<16xi32> to vector<1xi32>
        %squeeze3A_259 = vector.extract %slice3A_258[0] : i32 from vector<1xi32>
        %mul3A_260 = arith.constant 64 : i32
        %mul3A_261 = arith.muli %scan3A_159, %mul3A_260 : i32
        %add3A_262 = arith.addi %mul3A_40, %mul3A_261 : i32
        %add3A_263 = arith.constant 48 : i32
        %add3A_264 = arith.addi %add3A_262, %add3A_263 : i32
        %get3A_265 = arith.constant 0 : i32
        %get3A_266 = arith.index_cast %get3A_265 : i32 to index
        %get3A_267 = arith.index_cast %add3A_264 : i32 to index
        %get3A_268 = tpu.vector_load %arg8[%get3A_266, %get3A_267] {strides = array<i32>} : memref<4x1024xf32, #tpu.memory_space<vmem>>, vector<16xf32>,
        %get3A_269 = arith.constant 1 : i32
        %get3A_270 = arith.index_cast %get3A_269 : i32 to index
        %get3A_271 = arith.index_cast %add3A_264 : i32 to index
        %get3A_272 = tpu.vector_load %arg8[%get3A_270, %get3A_271] {strides = array<i32>} : memref<4x1024xf32, #tpu.memory_space<vmem>>, vector<16xf32>,
        %get3A_273 = arith.constant 2 : i32
        %get3A_274 = arith.index_cast %get3A_273 : i32 to index
        %get3A_275 = arith.index_cast %add3A_264 : i32 to index
        %get3A_276 = tpu.vector_load %arg8[%get3A_274, %get3A_275] {strides = array<i32>} : memref<4x1024xf32, #tpu.memory_space<vmem>>, vector<16xf32>,
        %ge3A_277 = arith.cmpf oge, %get3A_268, %broadcast_in_dim3A : vector<16xf32>
        %ge3A_278 = arith.cmpf oge, %broadcast_in_dim3A_93, %get3A_268 : vector<16xf32>
        %and3A_279 = arith.andi %ge3A_277, %ge3A_278 : vector<16xi1>
        %ge3A_280 = arith.cmpf oge, %get3A_272, %broadcast_in_dim3A_97 : vector<16xf32>
        %and3A_281 = arith.andi %and3A_279, %ge3A_280 : vector<16xi1>
        %ge3A_282 = arith.cmpf oge, %broadcast_in_dim3A_101, %get3A_272 : vector<16xf32>
        %and3A_283 = arith.andi %and3A_281, %ge3A_282 : vector<16xi1>
        %ge3A_284 = arith.cmpf oge, %get3A_276, %broadcast_in_dim3A_105 : vector<16xf32>
        %and3A_285 = arith.andi %and3A_283, %ge3A_284 : vector<16xi1>
        %ge3A_286 = arith.cmpf oge, %broadcast_in_dim3A_109, %get3A_276 : vector<16xf32>
        %and3A_287 = arith.andi %and3A_285, %ge3A_286 : vector<16xi1>
        %all_reduce_population_count3A_288 = tpu.all_reduce %and3A_287 {dim = 0 : i64, kind = #tpu.reduction_kind<sum>} : vector<16xi1> -> vector<16xi32>
        %slice3A_289 = vector.extract_strided_slice %all_reduce_population_count3A_288 {offsets = [0], sizes = [1], strides = [1]} : vector<16xi32> to vector<1xi32>
        %squeeze3A_290 = vector.extract %slice3A_289[0] : i32 from vector<1xi32>
        %while3A = arith.constant 0 : i32
        %while3A_291 = arith.subi %squeeze3A_197, %while3A : i32
        %while3A_292 = arith.addi %while3A, %while3A_291 : i32
        %while3A_293 = arith.constant 1 : i32
        %while3A_294 = arith.divsi %while3A_291, %while3A_293 : i32
        %while3A_295 = arith.muli %while3A_294, %while3A_293 : i32
        %while3A_296 = arith.addi %while3A, %while3A_295 : i32
        %while3A_297 = arith.constant 1 : i32
        %while3A_298:9 = scf.for %while3A_338 = %while3A to %while3A_296 step %while3A_297 iter_args(%while3A_339 = %and3A_195, %while3A_340 = %scan3A_161, %while3A_341 = %scan3A_162, %while3A_342 = %scan3A_163, %while3A_343 = %scan3A_164, %while3A_344 = %scan3A_165, %while3A_345 = %scan3A_166, %while3A_346 = %scan3A_167, %while3A_347 = %scan3A_168) -> (vector<16xi1>, vector<32xi16>, vector<32xi16>, vector<32xi16>, vector<32xi16>, vector<32xi16>, vector<32xi16>, vector<32xi16>, vector<32xi16>)  : i32 {
          %all_reduce_ffs3A = tpu.all_reduce %while3A_339 {dim = 0 : i64, kind = #tpu.reduction_kind<find_first_set>} : vector<16xi1> -> vector<16xi32>
          %slice3A_348 = vector.extract_strided_slice %all_reduce_ffs3A {offsets = [0], sizes = [1], strides = [1]} : vector<16xi32> to vector<1xi32>
          %squeeze3A_349 = vector.extract %slice3A_348[0] : i32 from vector<1xi32>
          %mul3A_350 = arith.constant 64 : i32
          %mul3A_351 = arith.muli %scan3A_159, %mul3A_350 : i32
          %add3A_352 = arith.constant 0 : i32
          %add3A_353 = arith.addi %mul3A_351, %add3A_352 : i32
          %add3A_354 = arith.addi %add3A_353, %squeeze3A_349 : i32
          %get3A_355 = arith.index_cast %add3A_354 : i32 to index
          %get3A_356 = arith.constant 0 : index
          %get3A_357 = tpu.vector_load %arg9[%get3A_355, %get3A_356] {strides = array<i32>} : memref<256x256xi16, #tpu.memory_space<vmem>>, vector<32xi16>,
          %max3A = arith.maxui %while3A_340, %get3A_357 : vector<32xi16>
          %get3A_358 = arith.index_cast %add3A_354 : i32 to index
          %get3A_359 = arith.constant 32 : index
          %get3A_360 = tpu.vector_load %arg9[%get3A_358, %get3A_359] {strides = array<i32>} : memref<256x256xi16, #tpu.memory_space<vmem>>, vector<32xi16>,
          %max3A_361 = arith.maxui %while3A_341, %get3A_360 : vector<32xi16>
          %get3A_362 = arith.index_cast %add3A_354 : i32 to index
          %get3A_363 = arith.constant 64 : index
          %get3A_364 = tpu.vector_load %arg9[%get3A_362, %get3A_363] {strides = array<i32>} : memref<256x256xi16, #tpu.memory_space<vmem>>, vector<32xi16>,
          %max3A_365 = arith.maxui %while3A_342, %get3A_364 : vector<32xi16>
          %get3A_366 = arith.index_cast %add3A_354 : i32 to index
          %get3A_367 = arith.constant 96 : index
          %get3A_368 = tpu.vector_load %arg9[%get3A_366, %get3A_367] {strides = array<i32>} : memref<256x256xi16, #tpu.memory_space<vmem>>, vector<32xi16>,
          %max3A_369 = arith.maxui %while3A_343, %get3A_368 : vector<32xi16>
          %get3A_370 = arith.index_cast %add3A_354 : i32 to index
          %get3A_371 = arith.constant 128 : index
          %get3A_372 = tpu.vector_load %arg9[%get3A_370, %get3A_371] {strides = array<i32>} : memref<256x256xi16, #tpu.memory_space<vmem>>, vector<32xi16>,
          %max3A_373 = arith.maxui %while3A_344, %get3A_372 : vector<32xi16>
          %get3A_374 = arith.index_cast %add3A_354 : i32 to index
          %get3A_375 = arith.constant 160 : index
          %get3A_376 = tpu.vector_load %arg9[%get3A_374, %get3A_375] {strides = array<i32>} : memref<256x256xi16, #tpu.memory_space<vmem>>, vector<32xi16>,
          %max3A_377 = arith.maxui %while3A_345, %get3A_376 : vector<32xi16>
          %get3A_378 = arith.index_cast %add3A_354 : i32 to index
          %get3A_379 = arith.constant 192 : index
          %get3A_380 = tpu.vector_load %arg9[%get3A_378, %get3A_379] {strides = array<i32>} : memref<256x256xi16, #tpu.memory_space<vmem>>, vector<32xi16>,
          %max3A_381 = arith.maxui %while3A_346, %get3A_380 : vector<32xi16>
          %get3A_382 = arith.index_cast %add3A_354 : i32 to index
          %get3A_383 = arith.constant 224 : index
          %get3A_384 = tpu.vector_load %arg9[%get3A_382, %get3A_383] {strides = array<i32>} : memref<256x256xi16, #tpu.memory_space<vmem>>, vector<32xi16>,
          %max3A_385 = arith.maxui %while3A_347, %get3A_384 : vector<32xi16>
          %broadcast_in_dim3A_386 = vector.broadcast %squeeze3A_349 : i32 to vector<16xi32>
          %ne3A_387 = arith.cmpi ne, %iota3A, %broadcast_in_dim3A_386 : vector<16xi32>
          %and3A_388 = arith.andi %while3A_339, %ne3A_387 : vector<16xi1>
          scf.yield %and3A_388, %max3A, %max3A_361, %max3A_365, %max3A_369, %max3A_373, %max3A_377, %max3A_381, %max3A_385 : vector<16xi1>, vector<32xi16>, vector<32xi16>, vector<32xi16>, vector<32xi16>, vector<32xi16>, vector<32xi16>, vector<32xi16>, vector<32xi16>
        }
        %while3A_299 = arith.constant 1 : i32
        %while3A_300:9 = scf.for %while3A_338 = %while3A_296 to %while3A_292 step %while3A_299 iter_args(%while3A_339 = %while3A_298#0, %while3A_340 = %while3A_298#1, %while3A_341 = %while3A_298#2, %while3A_342 = %while3A_298#3, %while3A_343 = %while3A_298#4, %while3A_344 = %while3A_298#5, %while3A_345 = %while3A_298#6, %while3A_346 = %while3A_298#7, %while3A_347 = %while3A_298#8) -> (vector<16xi1>, vector<32xi16>, vector<32xi16>, vector<32xi16>, vector<32xi16>, vector<32xi16>, vector<32xi16>, vector<32xi16>, vector<32xi16>)  : i32 {
          %all_reduce_ffs3A = tpu.all_reduce %while3A_339 {dim = 0 : i64, kind = #tpu.reduction_kind<find_first_set>} : vector<16xi1> -> vector<16xi32>
          %slice3A_348 = vector.extract_strided_slice %all_reduce_ffs3A {offsets = [0], sizes = [1], strides = [1]} : vector<16xi32> to vector<1xi32>
          %squeeze3A_349 = vector.extract %slice3A_348[0] : i32 from vector<1xi32>
          %mul3A_350 = arith.constant 64 : i32
          %mul3A_351 = arith.muli %scan3A_159, %mul3A_350 : i32
          %add3A_352 = arith.constant 0 : i32
          %add3A_353 = arith.addi %mul3A_351, %add3A_352 : i32
          %add3A_354 = arith.addi %add3A_353, %squeeze3A_349 : i32
          %get3A_355 = arith.index_cast %add3A_354 : i32 to index
          %get3A_356 = arith.constant 0 : index
          %get3A_357 = tpu.vector_load %arg9[%get3A_355, %get3A_356] {strides = array<i32>} : memref<256x256xi16, #tpu.memory_space<vmem>>, vector<32xi16>,
          %max3A = arith.maxui %while3A_340, %get3A_357 : vector<32xi16>
          %get3A_358 = arith.index_cast %add3A_354 : i32 to index
          %get3A_359 = arith.constant 32 : index
          %get3A_360 = tpu.vector_load %arg9[%get3A_358, %get3A_359] {strides = array<i32>} : memref<256x256xi16, #tpu.memory_space<vmem>>, vector<32xi16>,
          %max3A_361 = arith.maxui %while3A_341, %get3A_360 : vector<32xi16>
          %get3A_362 = arith.index_cast %add3A_354 : i32 to index
          %get3A_363 = arith.constant 64 : index
          %get3A_364 = tpu.vector_load %arg9[%get3A_362, %get3A_363] {strides = array<i32>} : memref<256x256xi16, #tpu.memory_space<vmem>>, vector<32xi16>,
          %max3A_365 = arith.maxui %while3A_342, %get3A_364 : vector<32xi16>
          %get3A_366 = arith.index_cast %add3A_354 : i32 to index
          %get3A_367 = arith.constant 96 : index
          %get3A_368 = tpu.vector_load %arg9[%get3A_366, %get3A_367] {strides = array<i32>} : memref<256x256xi16, #tpu.memory_space<vmem>>, vector<32xi16>,
          %max3A_369 = arith.maxui %while3A_343, %get3A_368 : vector<32xi16>
          %get3A_370 = arith.index_cast %add3A_354 : i32 to index
          %get3A_371 = arith.constant 128 : index
          %get3A_372 = tpu.vector_load %arg9[%get3A_370, %get3A_371] {strides = array<i32>} : memref<256x256xi16, #tpu.memory_space<vmem>>, vector<32xi16>,
          %max3A_373 = arith.maxui %while3A_344, %get3A_372 : vector<32xi16>
          %get3A_374 = arith.index_cast %add3A_354 : i32 to index
          %get3A_375 = arith.constant 160 : index
          %get3A_376 = tpu.vector_load %arg9[%get3A_374, %get3A_375] {strides = array<i32>} : memref<256x256xi16, #tpu.memory_space<vmem>>, vector<32xi16>,
          %max3A_377 = arith.maxui %while3A_345, %get3A_376 : vector<32xi16>
          %get3A_378 = arith.index_cast %add3A_354 : i32 to index
          %get3A_379 = arith.constant 192 : index
          %get3A_380 = tpu.vector_load %arg9[%get3A_378, %get3A_379] {strides = array<i32>} : memref<256x256xi16, #tpu.memory_space<vmem>>, vector<32xi16>,
          %max3A_381 = arith.maxui %while3A_346, %get3A_380 : vector<32xi16>
          %get3A_382 = arith.index_cast %add3A_354 : i32 to index
          %get3A_383 = arith.constant 224 : index
          %get3A_384 = tpu.vector_load %arg9[%get3A_382, %get3A_383] {strides = array<i32>} : memref<256x256xi16, #tpu.memory_space<vmem>>, vector<32xi16>,
          %max3A_385 = arith.maxui %while3A_347, %get3A_384 : vector<32xi16>
          %broadcast_in_dim3A_386 = vector.broadcast %squeeze3A_349 : i32 to vector<16xi32>
          %ne3A_387 = arith.cmpi ne, %iota3A, %broadcast_in_dim3A_386 : vector<16xi32>
          %and3A_388 = arith.andi %while3A_339, %ne3A_387 : vector<16xi1>
          scf.yield %and3A_388, %max3A, %max3A_361, %max3A_365, %max3A_369, %max3A_373, %max3A_377, %max3A_381, %max3A_385 : vector<16xi1>, vector<32xi16>, vector<32xi16>, vector<32xi16>, vector<32xi16>, vector<32xi16>, vector<32xi16>, vector<32xi16>, vector<32xi16>
        }
        %while3A_301 = arith.constant 0 : i32
        %while3A_302 = arith.subi %squeeze3A_228, %while3A_301 : i32
        %while3A_303 = arith.addi %while3A_301, %while3A_302 : i32
        %while3A_304 = arith.constant 1 : i32
        %while3A_305 = arith.divsi %while3A_302, %while3A_304 : i32
        %while3A_306 = arith.muli %while3A_305, %while3A_304 : i32
        %while3A_307 = arith.addi %while3A_301, %while3A_306 : i32
        %while3A_308 = arith.constant 1 : i32
        %while3A_309:9 = scf.for %while3A_338 = %while3A_301 to %while3A_307 step %while3A_308 iter_args(%while3A_339 = %and3A_225, %while3A_340 = %while3A_300#1, %while3A_341 = %while3A_300#2, %while3A_342 = %while3A_300#3, %while3A_343 = %while3A_300#4, %while3A_344 = %while3A_300#5, %while3A_345 = %while3A_300#6, %while3A_346 = %while3A_300#7, %while3A_347 = %while3A_300#8) -> (vector<16xi1>, vector<32xi16>, vector<32xi16>, vector<32xi16>, vector<32xi16>, vector<32xi16>, vector<32xi16>, vector<32xi16>, vector<32xi16>)  : i32 {
          %all_reduce_ffs3A = tpu.all_reduce %while3A_339 {dim = 0 : i64, kind = #tpu.reduction_kind<find_first_set>} : vector<16xi1> -> vector<16xi32>
          %slice3A_348 = vector.extract_strided_slice %all_reduce_ffs3A {offsets = [0], sizes = [1], strides = [1]} : vector<16xi32> to vector<1xi32>
          %squeeze3A_349 = vector.extract %slice3A_348[0] : i32 from vector<1xi32>
          %mul3A_350 = arith.constant 64 : i32
          %mul3A_351 = arith.muli %scan3A_159, %mul3A_350 : i32
          %add3A_352 = arith.constant 16 : i32
          %add3A_353 = arith.addi %mul3A_351, %add3A_352 : i32
          %add3A_354 = arith.addi %add3A_353, %squeeze3A_349 : i32
          %get3A_355 = arith.index_cast %add3A_354 : i32 to index
          %get3A_356 = arith.constant 0 : index
          %get3A_357 = tpu.vector_load %arg9[%get3A_355, %get3A_356] {strides = array<i32>} : memref<256x256xi16, #tpu.memory_space<vmem>>, vector<32xi16>,
          %max3A = arith.maxui %while3A_340, %get3A_357 : vector<32xi16>
          %get3A_358 = arith.index_cast %add3A_354 : i32 to index
          %get3A_359 = arith.constant 32 : index
          %get3A_360 = tpu.vector_load %arg9[%get3A_358, %get3A_359] {strides = array<i32>} : memref<256x256xi16, #tpu.memory_space<vmem>>, vector<32xi16>,
          %max3A_361 = arith.maxui %while3A_341, %get3A_360 : vector<32xi16>
          %get3A_362 = arith.index_cast %add3A_354 : i32 to index
          %get3A_363 = arith.constant 64 : index
          %get3A_364 = tpu.vector_load %arg9[%get3A_362, %get3A_363] {strides = array<i32>} : memref<256x256xi16, #tpu.memory_space<vmem>>, vector<32xi16>,
          %max3A_365 = arith.maxui %while3A_342, %get3A_364 : vector<32xi16>
          %get3A_366 = arith.index_cast %add3A_354 : i32 to index
          %get3A_367 = arith.constant 96 : index
          %get3A_368 = tpu.vector_load %arg9[%get3A_366, %get3A_367] {strides = array<i32>} : memref<256x256xi16, #tpu.memory_space<vmem>>, vector<32xi16>,
          %max3A_369 = arith.maxui %while3A_343, %get3A_368 : vector<32xi16>
          %get3A_370 = arith.index_cast %add3A_354 : i32 to index
          %get3A_371 = arith.constant 128 : index
          %get3A_372 = tpu.vector_load %arg9[%get3A_370, %get3A_371] {strides = array<i32>} : memref<256x256xi16, #tpu.memory_space<vmem>>, vector<32xi16>,
          %max3A_373 = arith.maxui %while3A_344, %get3A_372 : vector<32xi16>
          %get3A_374 = arith.index_cast %add3A_354 : i32 to index
          %get3A_375 = arith.constant 160 : index
          %get3A_376 = tpu.vector_load %arg9[%get3A_374, %get3A_375] {strides = array<i32>} : memref<256x256xi16, #tpu.memory_space<vmem>>, vector<32xi16>,
          %max3A_377 = arith.maxui %while3A_345, %get3A_376 : vector<32xi16>
          %get3A_378 = arith.index_cast %add3A_354 : i32 to index
          %get3A_379 = arith.constant 192 : index
          %get3A_380 = tpu.vector_load %arg9[%get3A_378, %get3A_379] {strides = array<i32>} : memref<256x256xi16, #tpu.memory_space<vmem>>, vector<32xi16>,
          %max3A_381 = arith.maxui %while3A_346, %get3A_380 : vector<32xi16>
          %get3A_382 = arith.index_cast %add3A_354 : i32 to index
          %get3A_383 = arith.constant 224 : index
          %get3A_384 = tpu.vector_load %arg9[%get3A_382, %get3A_383] {strides = array<i32>} : memref<256x256xi16, #tpu.memory_space<vmem>>, vector<32xi16>,
          %max3A_385 = arith.maxui %while3A_347, %get3A_384 : vector<32xi16>
          %broadcast_in_dim3A_386 = vector.broadcast %squeeze3A_349 : i32 to vector<16xi32>
          %ne3A_387 = arith.cmpi ne, %iota3A, %broadcast_in_dim3A_386 : vector<16xi32>
          %and3A_388 = arith.andi %while3A_339, %ne3A_387 : vector<16xi1>
          scf.yield %and3A_388, %max3A, %max3A_361, %max3A_365, %max3A_369, %max3A_373, %max3A_377, %max3A_381, %max3A_385 : vector<16xi1>, vector<32xi16>, vector<32xi16>, vector<32xi16>, vector<32xi16>, vector<32xi16>, vector<32xi16>, vector<32xi16>, vector<32xi16>
        }
        %while3A_310 = arith.constant 1 : i32
        %while3A_311:9 = scf.for %while3A_338 = %while3A_307 to %while3A_303 step %while3A_310 iter_args(%while3A_339 = %while3A_309#0, %while3A_340 = %while3A_309#1, %while3A_341 = %while3A_309#2, %while3A_342 = %while3A_309#3, %while3A_343 = %while3A_309#4, %while3A_344 = %while3A_309#5, %while3A_345 = %while3A_309#6, %while3A_346 = %while3A_309#7, %while3A_347 = %while3A_309#8) -> (vector<16xi1>, vector<32xi16>, vector<32xi16>, vector<32xi16>, vector<32xi16>, vector<32xi16>, vector<32xi16>, vector<32xi16>, vector<32xi16>)  : i32 {
          %all_reduce_ffs3A = tpu.all_reduce %while3A_339 {dim = 0 : i64, kind = #tpu.reduction_kind<find_first_set>} : vector<16xi1> -> vector<16xi32>
          %slice3A_348 = vector.extract_strided_slice %all_reduce_ffs3A {offsets = [0], sizes = [1], strides = [1]} : vector<16xi32> to vector<1xi32>
          %squeeze3A_349 = vector.extract %slice3A_348[0] : i32 from vector<1xi32>
          %mul3A_350 = arith.constant 64 : i32
          %mul3A_351 = arith.muli %scan3A_159, %mul3A_350 : i32
          %add3A_352 = arith.constant 16 : i32
          %add3A_353 = arith.addi %mul3A_351, %add3A_352 : i32
          %add3A_354 = arith.addi %add3A_353, %squeeze3A_349 : i32
          %get3A_355 = arith.index_cast %add3A_354 : i32 to index
          %get3A_356 = arith.constant 0 : index
          %get3A_357 = tpu.vector_load %arg9[%get3A_355, %get3A_356] {strides = array<i32>} : memref<256x256xi16, #tpu.memory_space<vmem>>, vector<32xi16>,
          %max3A = arith.maxui %while3A_340, %get3A_357 : vector<32xi16>
          %get3A_358 = arith.index_cast %add3A_354 : i32 to index
          %get3A_359 = arith.constant 32 : index
          %get3A_360 = tpu.vector_load %arg9[%get3A_358, %get3A_359] {strides = array<i32>} : memref<256x256xi16, #tpu.memory_space<vmem>>, vector<32xi16>,
          %max3A_361 = arith.maxui %while3A_341, %get3A_360 : vector<32xi16>
          %get3A_362 = arith.index_cast %add3A_354 : i32 to index
          %get3A_363 = arith.constant 64 : index
          %get3A_364 = tpu.vector_load %arg9[%get3A_362, %get3A_363] {strides = array<i32>} : memref<256x256xi16, #tpu.memory_space<vmem>>, vector<32xi16>,
          %max3A_365 = arith.maxui %while3A_342, %get3A_364 : vector<32xi16>
          %get3A_366 = arith.index_cast %add3A_354 : i32 to index
          %get3A_367 = arith.constant 96 : index
          %get3A_368 = tpu.vector_load %arg9[%get3A_366, %get3A_367] {strides = array<i32>} : memref<256x256xi16, #tpu.memory_space<vmem>>, vector<32xi16>,
          %max3A_369 = arith.maxui %while3A_343, %get3A_368 : vector<32xi16>
          %get3A_370 = arith.index_cast %add3A_354 : i32 to index
          %get3A_371 = arith.constant 128 : index
          %get3A_372 = tpu.vector_load %arg9[%get3A_370, %get3A_371] {strides = array<i32>} : memref<256x256xi16, #tpu.memory_space<vmem>>, vector<32xi16>,
          %max3A_373 = arith.maxui %while3A_344, %get3A_372 : vector<32xi16>
          %get3A_374 = arith.index_cast %add3A_354 : i32 to index
          %get3A_375 = arith.constant 160 : index
          %get3A_376 = tpu.vector_load %arg9[%get3A_374, %get3A_375] {strides = array<i32>} : memref<256x256xi16, #tpu.memory_space<vmem>>, vector<32xi16>,
          %max3A_377 = arith.maxui %while3A_345, %get3A_376 : vector<32xi16>
          %get3A_378 = arith.index_cast %add3A_354 : i32 to index
          %get3A_379 = arith.constant 192 : index
          %get3A_380 = tpu.vector_load %arg9[%get3A_378, %get3A_379] {strides = array<i32>} : memref<256x256xi16, #tpu.memory_space<vmem>>, vector<32xi16>,
          %max3A_381 = arith.maxui %while3A_346, %get3A_380 : vector<32xi16>
          %get3A_382 = arith.index_cast %add3A_354 : i32 to index
          %get3A_383 = arith.constant 224 : index
          %get3A_384 = tpu.vector_load %arg9[%get3A_382, %get3A_383] {strides = array<i32>} : memref<256x256xi16, #tpu.memory_space<vmem>>, vector<32xi16>,
          %max3A_385 = arith.maxui %while3A_347, %get3A_384 : vector<32xi16>
          %broadcast_in_dim3A_386 = vector.broadcast %squeeze3A_349 : i32 to vector<16xi32>
          %ne3A_387 = arith.cmpi ne, %iota3A, %broadcast_in_dim3A_386 : vector<16xi32>
          %and3A_388 = arith.andi %while3A_339, %ne3A_387 : vector<16xi1>
          scf.yield %and3A_388, %max3A, %max3A_361, %max3A_365, %max3A_369, %max3A_373, %max3A_377, %max3A_381, %max3A_385 : vector<16xi1>, vector<32xi16>, vector<32xi16>, vector<32xi16>, vector<32xi16>, vector<32xi16>, vector<32xi16>, vector<32xi16>, vector<32xi16>
        }
        %while3A_312 = arith.constant 0 : i32
        %while3A_313 = arith.subi %squeeze3A_259, %while3A_312 : i32
        %while3A_314 = arith.addi %while3A_312, %while3A_313 : i32
        %while3A_315 = arith.constant 1 : i32
        %while3A_316 = arith.divsi %while3A_313, %while3A_315 : i32
        %while3A_317 = arith.muli %while3A_316, %while3A_315 : i32
        %while3A_318 = arith.addi %while3A_312, %while3A_317 : i32
        %while3A_319 = arith.constant 1 : i32
        %while3A_320:9 = scf.for %while3A_338 = %while3A_312 to %while3A_318 step %while3A_319 iter_args(%while3A_339 = %and3A_256, %while3A_340 = %while3A_311#1, %while3A_341 = %while3A_311#2, %while3A_342 = %while3A_311#3, %while3A_343 = %while3A_311#4, %while3A_344 = %while3A_311#5, %while3A_345 = %while3A_311#6, %while3A_346 = %while3A_311#7, %while3A_347 = %while3A_311#8) -> (vector<16xi1>, vector<32xi16>, vector<32xi16>, vector<32xi16>, vector<32xi16>, vector<32xi16>, vector<32xi16>, vector<32xi16>, vector<32xi16>)  : i32 {
          %all_reduce_ffs3A = tpu.all_reduce %while3A_339 {dim = 0 : i64, kind = #tpu.reduction_kind<find_first_set>} : vector<16xi1> -> vector<16xi32>
          %slice3A_348 = vector.extract_strided_slice %all_reduce_ffs3A {offsets = [0], sizes = [1], strides = [1]} : vector<16xi32> to vector<1xi32>
          %squeeze3A_349 = vector.extract %slice3A_348[0] : i32 from vector<1xi32>
          %mul3A_350 = arith.constant 64 : i32
          %mul3A_351 = arith.muli %scan3A_159, %mul3A_350 : i32
          %add3A_352 = arith.constant 32 : i32
          %add3A_353 = arith.addi %mul3A_351, %add3A_352 : i32
          %add3A_354 = arith.addi %add3A_353, %squeeze3A_349 : i32
          %get3A_355 = arith.index_cast %add3A_354 : i32 to index
          %get3A_356 = arith.constant 0 : index
          %get3A_357 = tpu.vector_load %arg9[%get3A_355, %get3A_356] {strides = array<i32>} : memref<256x256xi16, #tpu.memory_space<vmem>>, vector<32xi16>,
          %max3A = arith.maxui %while3A_340, %get3A_357 : vector<32xi16>
          %get3A_358 = arith.index_cast %add3A_354 : i32 to index
          %get3A_359 = arith.constant 32 : index
          %get3A_360 = tpu.vector_load %arg9[%get3A_358, %get3A_359] {strides = array<i32>} : memref<256x256xi16, #tpu.memory_space<vmem>>, vector<32xi16>,
          %max3A_361 = arith.maxui %while3A_341, %get3A_360 : vector<32xi16>
          %get3A_362 = arith.index_cast %add3A_354 : i32 to index
          %get3A_363 = arith.constant 64 : index
          %get3A_364 = tpu.vector_load %arg9[%get3A_362, %get3A_363] {strides = array<i32>} : memref<256x256xi16, #tpu.memory_space<vmem>>, vector<32xi16>,
          %max3A_365 = arith.maxui %while3A_342, %get3A_364 : vector<32xi16>
          %get3A_366 = arith.index_cast %add3A_354 : i32 to index
          %get3A_367 = arith.constant 96 : index
          %get3A_368 = tpu.vector_load %arg9[%get3A_366, %get3A_367] {strides = array<i32>} : memref<256x256xi16, #tpu.memory_space<vmem>>, vector<32xi16>,
          %max3A_369 = arith.maxui %while3A_343, %get3A_368 : vector<32xi16>
          %get3A_370 = arith.index_cast %add3A_354 : i32 to index
          %get3A_371 = arith.constant 128 : index
          %get3A_372 = tpu.vector_load %arg9[%get3A_370, %get3A_371] {strides = array<i32>} : memref<256x256xi16, #tpu.memory_space<vmem>>, vector<32xi16>,
          %max3A_373 = arith.maxui %while3A_344, %get3A_372 : vector<32xi16>
          %get3A_374 = arith.index_cast %add3A_354 : i32 to index
          %get3A_375 = arith.constant 160 : index
          %get3A_376 = tpu.vector_load %arg9[%get3A_374, %get3A_375] {strides = array<i32>} : memref<256x256xi16, #tpu.memory_space<vmem>>, vector<32xi16>,
          %max3A_377 = arith.maxui %while3A_345, %get3A_376 : vector<32xi16>
          %get3A_378 = arith.index_cast %add3A_354 : i32 to index
          %get3A_379 = arith.constant 192 : index
          %get3A_380 = tpu.vector_load %arg9[%get3A_378, %get3A_379] {strides = array<i32>} : memref<256x256xi16, #tpu.memory_space<vmem>>, vector<32xi16>,
          %max3A_381 = arith.maxui %while3A_346, %get3A_380 : vector<32xi16>
          %get3A_382 = arith.index_cast %add3A_354 : i32 to index
          %get3A_383 = arith.constant 224 : index
          %get3A_384 = tpu.vector_load %arg9[%get3A_382, %get3A_383] {strides = array<i32>} : memref<256x256xi16, #tpu.memory_space<vmem>>, vector<32xi16>,
          %max3A_385 = arith.maxui %while3A_347, %get3A_384 : vector<32xi16>
          %broadcast_in_dim3A_386 = vector.broadcast %squeeze3A_349 : i32 to vector<16xi32>
          %ne3A_387 = arith.cmpi ne, %iota3A, %broadcast_in_dim3A_386 : vector<16xi32>
          %and3A_388 = arith.andi %while3A_339, %ne3A_387 : vector<16xi1>
          scf.yield %and3A_388, %max3A, %max3A_361, %max3A_365, %max3A_369, %max3A_373, %max3A_377, %max3A_381, %max3A_385 : vector<16xi1>, vector<32xi16>, vector<32xi16>, vector<32xi16>, vector<32xi16>, vector<32xi16>, vector<32xi16>, vector<32xi16>, vector<32xi16>
        }
        %while3A_321 = arith.constant 1 : i32
        %while3A_322:9 = scf.for %while3A_338 = %while3A_318 to %while3A_314 step %while3A_321 iter_args(%while3A_339 = %while3A_320#0, %while3A_340 = %while3A_320#1, %while3A_341 = %while3A_320#2, %while3A_342 = %while3A_320#3, %while3A_343 = %while3A_320#4, %while3A_344 = %while3A_320#5, %while3A_345 = %while3A_320#6, %while3A_346 = %while3A_320#7, %while3A_347 = %while3A_320#8) -> (vector<16xi1>, vector<32xi16>, vector<32xi16>, vector<32xi16>, vector<32xi16>, vector<32xi16>, vector<32xi16>, vector<32xi16>, vector<32xi16>)  : i32 {
          %all_reduce_ffs3A = tpu.all_reduce %while3A_339 {dim = 0 : i64, kind = #tpu.reduction_kind<find_first_set>} : vector<16xi1> -> vector<16xi32>
          %slice3A_348 = vector.extract_strided_slice %all_reduce_ffs3A {offsets = [0], sizes = [1], strides = [1]} : vector<16xi32> to vector<1xi32>
          %squeeze3A_349 = vector.extract %slice3A_348[0] : i32 from vector<1xi32>
          %mul3A_350 = arith.constant 64 : i32
          %mul3A_351 = arith.muli %scan3A_159, %mul3A_350 : i32
          %add3A_352 = arith.constant 32 : i32
          %add3A_353 = arith.addi %mul3A_351, %add3A_352 : i32
          %add3A_354 = arith.addi %add3A_353, %squeeze3A_349 : i32
          %get3A_355 = arith.index_cast %add3A_354 : i32 to index
          %get3A_356 = arith.constant 0 : index
          %get3A_357 = tpu.vector_load %arg9[%get3A_355, %get3A_356] {strides = array<i32>} : memref<256x256xi16, #tpu.memory_space<vmem>>, vector<32xi16>,
          %max3A = arith.maxui %while3A_340, %get3A_357 : vector<32xi16>
          %get3A_358 = arith.index_cast %add3A_354 : i32 to index
          %get3A_359 = arith.constant 32 : index
          %get3A_360 = tpu.vector_load %arg9[%get3A_358, %get3A_359] {strides = array<i32>} : memref<256x256xi16, #tpu.memory_space<vmem>>, vector<32xi16>,
          %max3A_361 = arith.maxui %while3A_341, %get3A_360 : vector<32xi16>
          %get3A_362 = arith.index_cast %add3A_354 : i32 to index
          %get3A_363 = arith.constant 64 : index
          %get3A_364 = tpu.vector_load %arg9[%get3A_362, %get3A_363] {strides = array<i32>} : memref<256x256xi16, #tpu.memory_space<vmem>>, vector<32xi16>,
          %max3A_365 = arith.maxui %while3A_342, %get3A_364 : vector<32xi16>
          %get3A_366 = arith.index_cast %add3A_354 : i32 to index
          %get3A_367 = arith.constant 96 : index
          %get3A_368 = tpu.vector_load %arg9[%get3A_366, %get3A_367] {strides = array<i32>} : memref<256x256xi16, #tpu.memory_space<vmem>>, vector<32xi16>,
          %max3A_369 = arith.maxui %while3A_343, %get3A_368 : vector<32xi16>
          %get3A_370 = arith.index_cast %add3A_354 : i32 to index
          %get3A_371 = arith.constant 128 : index
          %get3A_372 = tpu.vector_load %arg9[%get3A_370, %get3A_371] {strides = array<i32>} : memref<256x256xi16, #tpu.memory_space<vmem>>, vector<32xi16>,
          %max3A_373 = arith.maxui %while3A_344, %get3A_372 : vector<32xi16>
          %get3A_374 = arith.index_cast %add3A_354 : i32 to index
          %get3A_375 = arith.constant 160 : index
          %get3A_376 = tpu.vector_load %arg9[%get3A_374, %get3A_375] {strides = array<i32>} : memref<256x256xi16, #tpu.memory_space<vmem>>, vector<32xi16>,
          %max3A_377 = arith.maxui %while3A_345, %get3A_376 : vector<32xi16>
          %get3A_378 = arith.index_cast %add3A_354 : i32 to index
          %get3A_379 = arith.constant 192 : index
          %get3A_380 = tpu.vector_load %arg9[%get3A_378, %get3A_379] {strides = array<i32>} : memref<256x256xi16, #tpu.memory_space<vmem>>, vector<32xi16>,
          %max3A_381 = arith.maxui %while3A_346, %get3A_380 : vector<32xi16>
          %get3A_382 = arith.index_cast %add3A_354 : i32 to index
          %get3A_383 = arith.constant 224 : index
          %get3A_384 = tpu.vector_load %arg9[%get3A_382, %get3A_383] {strides = array<i32>} : memref<256x256xi16, #tpu.memory_space<vmem>>, vector<32xi16>,
          %max3A_385 = arith.maxui %while3A_347, %get3A_384 : vector<32xi16>
          %broadcast_in_dim3A_386 = vector.broadcast %squeeze3A_349 : i32 to vector<16xi32>
          %ne3A_387 = arith.cmpi ne, %iota3A, %broadcast_in_dim3A_386 : vector<16xi32>
          %and3A_388 = arith.andi %while3A_339, %ne3A_387 : vector<16xi1>
          scf.yield %and3A_388, %max3A, %max3A_361, %max3A_365, %max3A_369, %max3A_373, %max3A_377, %max3A_381, %max3A_385 : vector<16xi1>, vector<32xi16>, vector<32xi16>, vector<32xi16>, vector<32xi16>, vector<32xi16>, vector<32xi16>, vector<32xi16>, vector<32xi16>
        }
        %while3A_323 = arith.constant 0 : i32
        %while3A_324 = arith.subi %squeeze3A_290, %while3A_323 : i32
        %while3A_325 = arith.addi %while3A_323, %while3A_324 : i32
        %while3A_326 = arith.constant 1 : i32
        %while3A_327 = arith.divsi %while3A_324, %while3A_326 : i32
        %while3A_328 = arith.muli %while3A_327, %while3A_326 : i32
        %while3A_329 = arith.addi %while3A_323, %while3A_328 : i32
        %while3A_330 = arith.constant 1 : i32
        %while3A_331:9 = scf.for %while3A_338 = %while3A_323 to %while3A_329 step %while3A_330 iter_args(%while3A_339 = %and3A_287, %while3A_340 = %while3A_322#1, %while3A_341 = %while3A_322#2, %while3A_342 = %while3A_322#3, %while3A_343 = %while3A_322#4, %while3A_344 = %while3A_322#5, %while3A_345 = %while3A_322#6, %while3A_346 = %while3A_322#7, %while3A_347 = %while3A_322#8) -> (vector<16xi1>, vector<32xi16>, vector<32xi16>, vector<32xi16>, vector<32xi16>, vector<32xi16>, vector<32xi16>, vector<32xi16>, vector<32xi16>)  : i32 {
          %all_reduce_ffs3A = tpu.all_reduce %while3A_339 {dim = 0 : i64, kind = #tpu.reduction_kind<find_first_set>} : vector<16xi1> -> vector<16xi32>
          %slice3A_348 = vector.extract_strided_slice %all_reduce_ffs3A {offsets = [0], sizes = [1], strides = [1]} : vector<16xi32> to vector<1xi32>
          %squeeze3A_349 = vector.extract %slice3A_348[0] : i32 from vector<1xi32>
          %mul3A_350 = arith.constant 64 : i32
          %mul3A_351 = arith.muli %scan3A_159, %mul3A_350 : i32
          %add3A_352 = arith.constant 48 : i32
          %add3A_353 = arith.addi %mul3A_351, %add3A_352 : i32
          %add3A_354 = arith.addi %add3A_353, %squeeze3A_349 : i32
          %get3A_355 = arith.index_cast %add3A_354 : i32 to index
          %get3A_356 = arith.constant 0 : index
          %get3A_357 = tpu.vector_load %arg9[%get3A_355, %get3A_356] {strides = array<i32>} : memref<256x256xi16, #tpu.memory_space<vmem>>, vector<32xi16>,
          %max3A = arith.maxui %while3A_340, %get3A_357 : vector<32xi16>
          %get3A_358 = arith.index_cast %add3A_354 : i32 to index
          %get3A_359 = arith.constant 32 : index
          %get3A_360 = tpu.vector_load %arg9[%get3A_358, %get3A_359] {strides = array<i32>} : memref<256x256xi16, #tpu.memory_space<vmem>>, vector<32xi16>,
          %max3A_361 = arith.maxui %while3A_341, %get3A_360 : vector<32xi16>
          %get3A_362 = arith.index_cast %add3A_354 : i32 to index
          %get3A_363 = arith.constant 64 : index
          %get3A_364 = tpu.vector_load %arg9[%get3A_362, %get3A_363] {strides = array<i32>} : memref<256x256xi16, #tpu.memory_space<vmem>>, vector<32xi16>,
          %max3A_365 = arith.maxui %while3A_342, %get3A_364 : vector<32xi16>
          %get3A_366 = arith.index_cast %add3A_354 : i32 to index
          %get3A_367 = arith.constant 96 : index
          %get3A_368 = tpu.vector_load %arg9[%get3A_366, %get3A_367] {strides = array<i32>} : memref<256x256xi16, #tpu.memory_space<vmem>>, vector<32xi16>,
          %max3A_369 = arith.maxui %while3A_343, %get3A_368 : vector<32xi16>
          %get3A_370 = arith.index_cast %add3A_354 : i32 to index
          %get3A_371 = arith.constant 128 : index
          %get3A_372 = tpu.vector_load %arg9[%get3A_370, %get3A_371] {strides = array<i32>} : memref<256x256xi16, #tpu.memory_space<vmem>>, vector<32xi16>,
          %max3A_373 = arith.maxui %while3A_344, %get3A_372 : vector<32xi16>
          %get3A_374 = arith.index_cast %add3A_354 : i32 to index
          %get3A_375 = arith.constant 160 : index
          %get3A_376 = tpu.vector_load %arg9[%get3A_374, %get3A_375] {strides = array<i32>} : memref<256x256xi16, #tpu.memory_space<vmem>>, vector<32xi16>,
          %max3A_377 = arith.maxui %while3A_345, %get3A_376 : vector<32xi16>
          %get3A_378 = arith.index_cast %add3A_354 : i32 to index
          %get3A_379 = arith.constant 192 : index
          %get3A_380 = tpu.vector_load %arg9[%get3A_378, %get3A_379] {strides = array<i32>} : memref<256x256xi16, #tpu.memory_space<vmem>>, vector<32xi16>,
          %max3A_381 = arith.maxui %while3A_346, %get3A_380 : vector<32xi16>
          %get3A_382 = arith.index_cast %add3A_354 : i32 to index
          %get3A_383 = arith.constant 224 : index
          %get3A_384 = tpu.vector_load %arg9[%get3A_382, %get3A_383] {strides = array<i32>} : memref<256x256xi16, #tpu.memory_space<vmem>>, vector<32xi16>,
          %max3A_385 = arith.maxui %while3A_347, %get3A_384 : vector<32xi16>
          %broadcast_in_dim3A_386 = vector.broadcast %squeeze3A_349 : i32 to vector<16xi32>
          %ne3A_387 = arith.cmpi ne, %iota3A, %broadcast_in_dim3A_386 : vector<16xi32>
          %and3A_388 = arith.andi %while3A_339, %ne3A_387 : vector<16xi1>
          scf.yield %and3A_388, %max3A, %max3A_361, %max3A_365, %max3A_369, %max3A_373, %max3A_377, %max3A_381, %max3A_385 : vector<16xi1>, vector<32xi16>, vector<32xi16>, vector<32xi16>, vector<32xi16>, vector<32xi16>, vector<32xi16>, vector<32xi16>, vector<32xi16>
        }
        %while3A_332 = arith.constant 1 : i32
        %while3A_333:9 = scf.for %while3A_338 = %while3A_329 to %while3A_325 step %while3A_332 iter_args(%while3A_339 = %while3A_331#0, %while3A_340 = %while3A_331#1, %while3A_341 = %while3A_331#2, %while3A_342 = %while3A_331#3, %while3A_343 = %while3A_331#4, %while3A_344 = %while3A_331#5, %while3A_345 = %while3A_331#6, %while3A_346 = %while3A_331#7, %while3A_347 = %while3A_331#8) -> (vector<16xi1>, vector<32xi16>, vector<32xi16>, vector<32xi16>, vector<32xi16>, vector<32xi16>, vector<32xi16>, vector<32xi16>, vector<32xi16>)  : i32 {
          %all_reduce_ffs3A = tpu.all_reduce %while3A_339 {dim = 0 : i64, kind = #tpu.reduction_kind<find_first_set>} : vector<16xi1> -> vector<16xi32>
          %slice3A_348 = vector.extract_strided_slice %all_reduce_ffs3A {offsets = [0], sizes = [1], strides = [1]} : vector<16xi32> to vector<1xi32>
          %squeeze3A_349 = vector.extract %slice3A_348[0] : i32 from vector<1xi32>
          %mul3A_350 = arith.constant 64 : i32
          %mul3A_351 = arith.muli %scan3A_159, %mul3A_350 : i32
          %add3A_352 = arith.constant 48 : i32
          %add3A_353 = arith.addi %mul3A_351, %add3A_352 : i32
          %add3A_354 = arith.addi %add3A_353, %squeeze3A_349 : i32
          %get3A_355 = arith.index_cast %add3A_354 : i32 to index
          %get3A_356 = arith.constant 0 : index
          %get3A_357 = tpu.vector_load %arg9[%get3A_355, %get3A_356] {strides = array<i32>} : memref<256x256xi16, #tpu.memory_space<vmem>>, vector<32xi16>,
          %max3A = arith.maxui %while3A_340, %get3A_357 : vector<32xi16>
          %get3A_358 = arith.index_cast %add3A_354 : i32 to index
          %get3A_359 = arith.constant 32 : index
          %get3A_360 = tpu.vector_load %arg9[%get3A_358, %get3A_359] {strides = array<i32>} : memref<256x256xi16, #tpu.memory_space<vmem>>, vector<32xi16>,
          %max3A_361 = arith.maxui %while3A_341, %get3A_360 : vector<32xi16>
          %get3A_362 = arith.index_cast %add3A_354 : i32 to index
          %get3A_363 = arith.constant 64 : index
          %get3A_364 = tpu.vector_load %arg9[%get3A_362, %get3A_363] {strides = array<i32>} : memref<256x256xi16, #tpu.memory_space<vmem>>, vector<32xi16>,
          %max3A_365 = arith.maxui %while3A_342, %get3A_364 : vector<32xi16>
          %get3A_366 = arith.index_cast %add3A_354 : i32 to index
          %get3A_367 = arith.constant 96 : index
          %get3A_368 = tpu.vector_load %arg9[%get3A_366, %get3A_367] {strides = array<i32>} : memref<256x256xi16, #tpu.memory_space<vmem>>, vector<32xi16>,
          %max3A_369 = arith.maxui %while3A_343, %get3A_368 : vector<32xi16>
          %get3A_370 = arith.index_cast %add3A_354 : i32 to index
          %get3A_371 = arith.constant 128 : index
          %get3A_372 = tpu.vector_load %arg9[%get3A_370, %get3A_371] {strides = array<i32>} : memref<256x256xi16, #tpu.memory_space<vmem>>, vector<32xi16>,
          %max3A_373 = arith.maxui %while3A_344, %get3A_372 : vector<32xi16>
          %get3A_374 = arith.index_cast %add3A_354 : i32 to index
          %get3A_375 = arith.constant 160 : index
          %get3A_376 = tpu.vector_load %arg9[%get3A_374, %get3A_375] {strides = array<i32>} : memref<256x256xi16, #tpu.memory_space<vmem>>, vector<32xi16>,
          %max3A_377 = arith.maxui %while3A_345, %get3A_376 : vector<32xi16>
          %get3A_378 = arith.index_cast %add3A_354 : i32 to index
          %get3A_379 = arith.constant 192 : index
          %get3A_380 = tpu.vector_load %arg9[%get3A_378, %get3A_379] {strides = array<i32>} : memref<256x256xi16, #tpu.memory_space<vmem>>, vector<32xi16>,
          %max3A_381 = arith.maxui %while3A_346, %get3A_380 : vector<32xi16>
          %get3A_382 = arith.index_cast %add3A_354 : i32 to index
          %get3A_383 = arith.constant 224 : index
          %get3A_384 = tpu.vector_load %arg9[%get3A_382, %get3A_383] {strides = array<i32>} : memref<256x256xi16, #tpu.memory_space<vmem>>, vector<32xi16>,
          %max3A_385 = arith.maxui %while3A_347, %get3A_384 : vector<32xi16>
          %broadcast_in_dim3A_386 = vector.broadcast %squeeze3A_349 : i32 to vector<16xi32>
          %ne3A_387 = arith.cmpi ne, %iota3A, %broadcast_in_dim3A_386 : vector<16xi32>
          %and3A_388 = arith.andi %while3A_339, %ne3A_387 : vector<16xi1>
          scf.yield %and3A_388, %max3A, %max3A_361, %max3A_365, %max3A_369, %max3A_373, %max3A_377, %max3A_381, %max3A_385 : vector<16xi1>, vector<32xi16>, vector<32xi16>, vector<32xi16>, vector<32xi16>, vector<32xi16>, vector<32xi16>, vector<32xi16>, vector<32xi16>
        }
        %add3A_334 = arith.addi %scan3A_160, %squeeze3A_197 : i32
        %add3A_335 = arith.addi %add3A_334, %squeeze3A_228 : i32
        %add3A_336 = arith.addi %add3A_335, %squeeze3A_259 : i32
        %add3A_337 = arith.addi %add3A_336, %squeeze3A_290 : i32
        scf.yield %add3A_337, %while3A_333#1, %while3A_333#2, %while3A_333#3, %while3A_333#4, %while3A_333#5, %while3A_333#6, %while3A_333#7, %while3A_333#8 : i32, vector<32xi16>, vector<32xi16>, vector<32xi16>, vector<32xi16>, vector<32xi16>, vector<32xi16>, vector<32xi16>, vector<32xi16>
      }
      %scan3A_132 = arith.constant 4 : i32
      %swap3A = arith.index_cast %scan3A_52 : i32 to index
      %swap3A_133 = arith.constant 0 : index
      %swap3A_134 = tpu.vector_load %arg10[%swap3A, %swap3A_133] {strides = array<i32>} : memref<32x256xi16, #tpu.memory_space<vmem>>, vector<32xi16>,
      tpu.vector_store %arg10[%swap3A, %swap3A_133], %scan3A_131#1 {strides = array<i32>} : memref<32x256xi16, #tpu.memory_space<vmem>>, vector<32xi16>,
      %swap3A_135 = arith.index_cast %scan3A_52 : i32 to index
      %swap3A_136 = arith.constant 32 : index
      %swap3A_137 = tpu.vector_load %arg10[%swap3A_135, %swap3A_136] {strides = array<i32>} : memref<32x256xi16, #tpu.memory_space<vmem>>, vector<32xi16>,
      tpu.vector_store %arg10[%swap3A_135, %swap3A_136], %scan3A_131#2 {strides = array<i32>} : memref<32x256xi16, #tpu.memory_space<vmem>>, vector<32xi16>,
      %swap3A_138 = arith.index_cast %scan3A_52 : i32 to index
      %swap3A_139 = arith.constant 64 : index
      %swap3A_140 = tpu.vector_load %arg10[%swap3A_138, %swap3A_139] {strides = array<i32>} : memref<32x256xi16, #tpu.memory_space<vmem>>, vector<32xi16>,
      tpu.vector_store %arg10[%swap3A_138, %swap3A_139], %scan3A_131#3 {strides = array<i32>} : memref<32x256xi16, #tpu.memory_space<vmem>>, vector<32xi16>,
      %swap3A_141 = arith.index_cast %scan3A_52 : i32 to index
      %swap3A_142 = arith.constant 96 : index
      %swap3A_143 = tpu.vector_load %arg10[%swap3A_141, %swap3A_142] {strides = array<i32>} : memref<32x256xi16, #tpu.memory_space<vmem>>, vector<32xi16>,
      tpu.vector_store %arg10[%swap3A_141, %swap3A_142], %scan3A_131#4 {strides = array<i32>} : memref<32x256xi16, #tpu.memory_space<vmem>>, vector<32xi16>,
      %swap3A_144 = arith.index_cast %scan3A_52 : i32 to index
      %swap3A_145 = arith.constant 128 : index
      %swap3A_146 = tpu.vector_load %arg10[%swap3A_144, %swap3A_145] {strides = array<i32>} : memref<32x256xi16, #tpu.memory_space<vmem>>, vector<32xi16>,
      tpu.vector_store %arg10[%swap3A_144, %swap3A_145], %scan3A_131#5 {strides = array<i32>} : memref<32x256xi16, #tpu.memory_space<vmem>>, vector<32xi16>,
      %swap3A_147 = arith.index_cast %scan3A_52 : i32 to index
      %swap3A_148 = arith.constant 160 : index
      %swap3A_149 = tpu.vector_load %arg10[%swap3A_147, %swap3A_148] {strides = array<i32>} : memref<32x256xi16, #tpu.memory_space<vmem>>, vector<32xi16>,
      tpu.vector_store %arg10[%swap3A_147, %swap3A_148], %scan3A_131#6 {strides = array<i32>} : memref<32x256xi16, #tpu.memory_space<vmem>>, vector<32xi16>,
      %swap3A_150 = arith.index_cast %scan3A_52 : i32 to index
      %swap3A_151 = arith.constant 192 : index
      %swap3A_152 = tpu.vector_load %arg10[%swap3A_150, %swap3A_151] {strides = array<i32>} : memref<32x256xi16, #tpu.memory_space<vmem>>, vector<32xi16>,
      tpu.vector_store %arg10[%swap3A_150, %swap3A_151], %scan3A_131#7 {strides = array<i32>} : memref<32x256xi16, #tpu.memory_space<vmem>>, vector<32xi16>,
      %swap3A_153 = arith.index_cast %scan3A_52 : i32 to index
      %swap3A_154 = arith.constant 224 : index
      %swap3A_155 = tpu.vector_load %arg10[%swap3A_153, %swap3A_154] {strides = array<i32>} : memref<32x256xi16, #tpu.memory_space<vmem>>, vector<32xi16>,
      tpu.vector_store %arg10[%swap3A_153, %swap3A_154], %scan3A_131#8 {strides = array<i32>} : memref<32x256xi16, #tpu.memory_space<vmem>>, vector<32xi16>,
      %convert_element_type3A = arith.sitofp %scan3A_131#0 : i32 to f32
      %broadcast_in_dim3A_156 = vector.broadcast %convert_element_type3A : f32 to vector<16xf32>
      %swap3A_157 = arith.index_cast %scan3A_52 : i32 to index
      %swap3A_158 = tpu.vector_load %arg11[%swap3A_157] {strides = array<i32>} : memref<48xf32, #tpu.memory_space<vmem>>, vector<16xf32>,
      tpu.vector_store %arg11[%swap3A_157], %broadcast_in_dim3A_156 {strides = array<i32>} : memref<48xf32, #tpu.memory_space<vmem>>, vector<16xf32>,
    }
    %scan3A_47 = arith.constant 32 : i32
    %mul3A_48 = arith.constant 32 : i32
    %mul3A_49 = arith.muli %add3A, %mul3A_48 : i32
    "tpu.region"() ({
      %run_scoped3A = tpu.sem_alloc : memref<!tpu.dma_semaphore, #tpu.memory_space<semaphore_mem>>
      %dma_start3A_52 = arith.constant 0 : i32
      %dma_start3A_53 = tpu.memref_slice %arg5[%mul3A_49, %dma_start3A_52] : memref<1024x256xi16, #tpu.memory_space<hbm>> -> memref<32x256xi16, #tpu.memory_space<hbm>>
      %dma_start3A_54 = arith.constant 0 : i32
      %dma_start3A_55 = tpu.memref_slice %arg5[%mul3A_49, %dma_start3A_54] : memref<1024x256xi16, #tpu.memory_space<hbm>> -> memref<32x256xi16, #tpu.memory_space<hbm>>
      tpu.enqueue_dma source(%arg10 : memref<32x256xi16, #tpu.memory_space<vmem>>) target(%dma_start3A_55 : memref<32x256xi16, #tpu.memory_space<hbm>>) target_semaphore(%run_scoped3A : memref<!tpu.dma_semaphore, #tpu.memory_space<semaphore_mem>>)
      %dma_wait3A_56 = arith.constant 0 : i32
      %dma_wait3A_57 = tpu.memref_slice %arg5[%mul3A_49, %dma_wait3A_56] : memref<1024x256xi16, #tpu.memory_space<hbm>> -> memref<32x256xi16, #tpu.memory_space<hbm>>
      %dma_wait3A_58 = arith.constant 0 : i32
      %dma_wait3A_59 = tpu.memref_slice %arg5[%mul3A_49, %dma_wait3A_58] : memref<1024x256xi16, #tpu.memory_space<hbm>> -> memref<32x256xi16, #tpu.memory_space<hbm>>
      tpu.wait_dma2 semaphore(%run_scoped3A : memref<!tpu.dma_semaphore, #tpu.memory_space<semaphore_mem>>) src(%arg10 : memref<32x256xi16, #tpu.memory_space<vmem>>) dst(%dma_wait3A_59 : memref<32x256xi16, #tpu.memory_space<hbm>>)
      tpu.yield
    }) : () -> ()
    %mul3A_50 = arith.constant 32 : i32
    %mul3A_51 = arith.muli %add3A, %mul3A_50 : i32
    "tpu.region"() ({
      %run_scoped3A = tpu.sem_alloc : memref<!tpu.dma_semaphore, #tpu.memory_space<semaphore_mem>>
      %dma_start3A_52 = arith.constant 0 : i32
      %dma_start3A_53 = tpu.memref_slice %arg11[%dma_start3A_52] : memref<48xf32, #tpu.memory_space<vmem>> -> memref<32xf32, #tpu.memory_space<vmem>>
      %dma_start3A_54 = tpu.memref_slice %arg6[%mul3A_51] : memref<1024xf32, #tpu.memory_space<hbm>> -> memref<32xf32, #tpu.memory_space<hbm>>
      %dma_start3A_55 = tpu.memref_slice %arg6[%mul3A_51] : memref<1024xf32, #tpu.memory_space<hbm>> -> memref<32xf32, #tpu.memory_space<hbm>>
      %dma_start3A_56 = arith.constant 0 : i32
      %dma_start3A_57 = tpu.memref_slice %arg11[%dma_start3A_56] : memref<48xf32, #tpu.memory_space<vmem>> -> memref<32xf32, #tpu.memory_space<vmem>>
      tpu.enqueue_dma source(%dma_start3A_57 : memref<32xf32, #tpu.memory_space<vmem>>) target(%dma_start3A_55 : memref<32xf32, #tpu.memory_space<hbm>>) target_semaphore(%run_scoped3A : memref<!tpu.dma_semaphore, #tpu.memory_space<semaphore_mem>>)
      %dma_wait3A_58 = arith.constant 0 : i32
      %dma_wait3A_59 = tpu.memref_slice %arg11[%dma_wait3A_58] : memref<48xf32, #tpu.memory_space<vmem>> -> memref<32xf32, #tpu.memory_space<vmem>>
      %dma_wait3A_60 = tpu.memref_slice %arg6[%mul3A_51] : memref<1024xf32, #tpu.memory_space<hbm>> -> memref<32xf32, #tpu.memory_space<hbm>>
      %dma_wait3A_61 = tpu.memref_slice %arg6[%mul3A_51] : memref<1024xf32, #tpu.memory_space<hbm>> -> memref<32xf32, #tpu.memory_space<hbm>>
      %dma_wait3A_62 = arith.constant 0 : i32
      %dma_wait3A_63 = tpu.memref_slice %arg11[%dma_wait3A_62] : memref<48xf32, #tpu.memory_space<vmem>> -> memref<32xf32, #tpu.memory_space<vmem>>
      tpu.wait_dma2 semaphore(%run_scoped3A : memref<!tpu.dma_semaphore, #tpu.memory_space<semaphore_mem>>) src(%dma_wait3A_63 : memref<32xf32, #tpu.memory_space<vmem>>) dst(%dma_wait3A_61 : memref<32xf32, #tpu.memory_space<hbm>>)
      tpu.yield
    }) : () -> ()
    return
  }
}

module attributes {stable_mosaic.version = 14 : i64} {
  func.func @_agg_pool_body(%arg0: i32, %arg1: memref<8x8xf32, #tpu.memory_space<vmem>>, %arg2: memref<8x256xf32, #tpu.memory_space<vmem>>, %arg3: memref<128x256xf32, #tpu.memory_space<vmem>>, %arg4: memref<8x1x128xf32, #tpu.memory_space<vmem>>) attributes {dimension_semantics = [#tpu.dimension_semantics<arbitrary>], iteration_bounds = array<i64: 32>, scalar_prefetch = 0 : i64, scratch_operands = 0 : i64, tpu.core_type = #tpu.core_type<tc>, window_params = [{transform_indices = @transform_0, window_bounds = array<i64: 8, 8>}, {pipeline_mode = #tpu.pipeline_mode<synchronous>, transform_indices = @transform_1, window_bounds = array<i64: 8, 256>}, {pipeline_mode = #tpu.pipeline_mode<synchronous>, transform_indices = @transform_2, window_bounds = array<i64: 128, 256>}, {transform_indices = @transform_3, window_bounds = array<i64: 8, 1, 128>}]} {
    %get3A = arith.constant 0 : index
    %get3A_0 = arith.constant 0 : index
    %get3A_1 = vector.load %arg1[%get3A, %get3A_0] : memref<8x8xf32, #tpu.memory_space<vmem>>, vector<8x8xf32>
    %slice3A = vector.extract_strided_slice %get3A_1 {offsets = [0, 0], sizes = [8, 3], strides = [1, 1]} : vector<8x8xf32> to vector<8x3xf32>
    %slice3A_2 = vector.extract_strided_slice %get3A_1 {offsets = [0, 3], sizes = [8, 3], strides = [1, 1]} : vector<8x8xf32> to vector<8x3xf32>
    %mul3A = arith.constant 5.000000e-01 : f32
    %mul3A_3 = vector.broadcast %mul3A : f32 to vector<8x3xf32>
    %mul3A_4 = arith.mulf %mul3A_3, %slice3A_2 : vector<8x3xf32>
    %sub3A = arith.subf %slice3A, %mul3A_4 : vector<8x3xf32>
    %slice3A_5 = vector.extract_strided_slice %get3A_1 {offsets = [0, 0], sizes = [8, 3], strides = [1, 1]} : vector<8x8xf32> to vector<8x3xf32>
    %slice3A_6 = vector.extract_strided_slice %get3A_1 {offsets = [0, 3], sizes = [8, 3], strides = [1, 1]} : vector<8x8xf32> to vector<8x3xf32>
    %mul3A_7 = arith.constant 5.000000e-01 : f32
    %mul3A_8 = vector.broadcast %mul3A_7 : f32 to vector<8x3xf32>
    %mul3A_9 = arith.mulf %mul3A_8, %slice3A_6 : vector<8x3xf32>
    %add3A = arith.addf %slice3A_5, %mul3A_9 : vector<8x3xf32>
    %get3A_10 = arith.constant 0 : index
    %get3A_11 = arith.constant 0 : index
    %get3A_12 = vector.load %arg2[%get3A_10, %get3A_11] : memref<8x256xf32, #tpu.memory_space<vmem>>, vector<1x256xf32>
    %get3A_13 = arith.constant 1 : index
    %get3A_14 = arith.constant 0 : index
    %get3A_15 = vector.load %arg2[%get3A_13, %get3A_14] : memref<8x256xf32, #tpu.memory_space<vmem>>, vector<1x256xf32>
    %get3A_16 = arith.constant 2 : index
    %get3A_17 = arith.constant 0 : index
    %get3A_18 = vector.load %arg2[%get3A_16, %get3A_17] : memref<8x256xf32, #tpu.memory_space<vmem>>, vector<1x256xf32>
    %get3A_19 = arith.constant 0 : index
    %get3A_20 = arith.constant 0 : index
    %get3A_21 = vector.load %arg3[%get3A_19, %get3A_20] : memref<128x256xf32, #tpu.memory_space<vmem>>, vector<128x256xf32>
    %slice3A_22 = vector.extract_strided_slice %sub3A {offsets = [0, 0], sizes = [8, 1], strides = [1, 1]} : vector<8x3xf32> to vector<8x1xf32>
    %ge3A = vector.broadcast %get3A_12 : vector<1x256xf32> to vector<8x256xf32>
    %ge3A_23 = vector.broadcast %slice3A_22 : vector<8x1xf32> to vector<8x256xf32>
    %ge3A_24 = arith.cmpf oge, %ge3A, %ge3A_23 : vector<8x256xf32>
    %slice3A_25 = vector.extract_strided_slice %add3A {offsets = [0, 0], sizes = [8, 1], strides = [1, 1]} : vector<8x3xf32> to vector<8x1xf32>
    %ge3A_26 = vector.broadcast %slice3A_25 : vector<8x1xf32> to vector<8x256xf32>
    %ge3A_27 = vector.broadcast %get3A_12 : vector<1x256xf32> to vector<8x256xf32>
    %ge3A_28 = arith.cmpf oge, %ge3A_26, %ge3A_27 : vector<8x256xf32>
    %and3A = arith.andi %ge3A_24, %ge3A_28 : vector<8x256xi1>
    %slice3A_29 = vector.extract_strided_slice %sub3A {offsets = [0, 1], sizes = [8, 1], strides = [1, 1]} : vector<8x3xf32> to vector<8x1xf32>
    %ge3A_30 = vector.broadcast %get3A_15 : vector<1x256xf32> to vector<8x256xf32>
    %ge3A_31 = vector.broadcast %slice3A_29 : vector<8x1xf32> to vector<8x256xf32>
    %ge3A_32 = arith.cmpf oge, %ge3A_30, %ge3A_31 : vector<8x256xf32>
    %and3A_33 = arith.andi %and3A, %ge3A_32 : vector<8x256xi1>
    %slice3A_34 = vector.extract_strided_slice %add3A {offsets = [0, 1], sizes = [8, 1], strides = [1, 1]} : vector<8x3xf32> to vector<8x1xf32>
    %ge3A_35 = vector.broadcast %slice3A_34 : vector<8x1xf32> to vector<8x256xf32>
    %ge3A_36 = vector.broadcast %get3A_15 : vector<1x256xf32> to vector<8x256xf32>
    %ge3A_37 = arith.cmpf oge, %ge3A_35, %ge3A_36 : vector<8x256xf32>
    %and3A_38 = arith.andi %and3A_33, %ge3A_37 : vector<8x256xi1>
    %slice3A_39 = vector.extract_strided_slice %sub3A {offsets = [0, 2], sizes = [8, 1], strides = [1, 1]} : vector<8x3xf32> to vector<8x1xf32>
    %ge3A_40 = vector.broadcast %get3A_18 : vector<1x256xf32> to vector<8x256xf32>
    %ge3A_41 = vector.broadcast %slice3A_39 : vector<8x1xf32> to vector<8x256xf32>
    %ge3A_42 = arith.cmpf oge, %ge3A_40, %ge3A_41 : vector<8x256xf32>
    %and3A_43 = arith.andi %and3A_38, %ge3A_42 : vector<8x256xi1>
    %slice3A_44 = vector.extract_strided_slice %add3A {offsets = [0, 2], sizes = [8, 1], strides = [1, 1]} : vector<8x3xf32> to vector<8x1xf32>
    %ge3A_45 = vector.broadcast %slice3A_44 : vector<8x1xf32> to vector<8x256xf32>
    %ge3A_46 = vector.broadcast %get3A_18 : vector<1x256xf32> to vector<8x256xf32>
    %ge3A_47 = arith.cmpf oge, %ge3A_45, %ge3A_46 : vector<8x256xf32>
    %and3A_48 = arith.andi %and3A_43, %ge3A_47 : vector<8x256xi1>
    %slice3A_49 = vector.extract_strided_slice %and3A_48 {offsets = [0, 0], sizes = [1, 256], strides = [1, 1]} : vector<8x256xi1> to vector<1x256xi1>
    %jit3A = arith.constant 0.000000e+00 : f32
    %broadcast_in_dim3A = vector.shape_cast %slice3A_49 : vector<1x256xi1> to vector<1x256xi1>
    %broadcast_in_dim3A_50 = vector.broadcast %broadcast_in_dim3A : vector<1x256xi1> to vector<128x256xi1>
    %broadcast_in_dim3A_51 = vector.broadcast %jit3A : f32 to vector<128x256xf32>
    %select_n3A = arith.select %broadcast_in_dim3A_50, %get3A_21, %broadcast_in_dim3A_51 : vector<128x256xi1>, vector<128x256xf32>
    %reduce_max3A = arith.constant dense<0xFF800000> : vector<128xf32>
    %reduce_max3A_52 = vector.multi_reduction <maximumf>, %select_n3A, %reduce_max3A [1] : vector<128x256xf32> to vector<128xf32>
    %broadcast_in_dim3A_53 = vector.shape_cast %reduce_max3A_52 : vector<128xf32> to vector<128x1xf32>
    %reshape3A = vector.shape_cast %broadcast_in_dim3A_53 : vector<128x1xf32> to vector<1x128xf32>
    %swap3A = arith.constant 0 : index
    %swap3A_54 = arith.constant 0 : index
    %swap3A_55 = arith.constant 0 : index
    %swap3A_56 = vector.load %arg4[%swap3A, %swap3A_54, %swap3A_55] : memref<8x1x128xf32, #tpu.memory_space<vmem>>, vector<1x1x128xf32>
    %swap3A_57 = vector.shape_cast %swap3A_56 : vector<1x1x128xf32> to vector<1x128xf32>
    %swap3A_58 = vector.shape_cast %reshape3A : vector<1x128xf32> to vector<1x1x128xf32>
    tpu.vector_store %arg4[%swap3A, %swap3A_54, %swap3A_55], %swap3A_58 {strides = array<i32>} : memref<8x1x128xf32, #tpu.memory_space<vmem>>, vector<1x1x128xf32>,
    %slice3A_59 = vector.extract_strided_slice %and3A_48 {offsets = [1, 0], sizes = [1, 256], strides = [1, 1]} : vector<8x256xi1> to vector<1x256xi1>
    %jit3A_60 = arith.constant 0.000000e+00 : f32
    %broadcast_in_dim3A_61 = vector.shape_cast %slice3A_59 : vector<1x256xi1> to vector<1x256xi1>
    %broadcast_in_dim3A_62 = vector.broadcast %broadcast_in_dim3A_61 : vector<1x256xi1> to vector<128x256xi1>
    %broadcast_in_dim3A_63 = vector.broadcast %jit3A_60 : f32 to vector<128x256xf32>
    %select_n3A_64 = arith.select %broadcast_in_dim3A_62, %get3A_21, %broadcast_in_dim3A_63 : vector<128x256xi1>, vector<128x256xf32>
    %reduce_max3A_65 = arith.constant dense<0xFF800000> : vector<128xf32>
    %reduce_max3A_66 = vector.multi_reduction <maximumf>, %select_n3A_64, %reduce_max3A_65 [1] : vector<128x256xf32> to vector<128xf32>
    %broadcast_in_dim3A_67 = vector.shape_cast %reduce_max3A_66 : vector<128xf32> to vector<128x1xf32>
    %reshape3A_68 = vector.shape_cast %broadcast_in_dim3A_67 : vector<128x1xf32> to vector<1x128xf32>
    %swap3A_69 = arith.constant 1 : index
    %swap3A_70 = arith.constant 0 : index
    %swap3A_71 = arith.constant 0 : index
    %swap3A_72 = vector.load %arg4[%swap3A_69, %swap3A_70, %swap3A_71] : memref<8x1x128xf32, #tpu.memory_space<vmem>>, vector<1x1x128xf32>
    %swap3A_73 = vector.shape_cast %swap3A_72 : vector<1x1x128xf32> to vector<1x128xf32>
    %swap3A_74 = vector.shape_cast %reshape3A_68 : vector<1x128xf32> to vector<1x1x128xf32>
    tpu.vector_store %arg4[%swap3A_69, %swap3A_70, %swap3A_71], %swap3A_74 {strides = array<i32>} : memref<8x1x128xf32, #tpu.memory_space<vmem>>, vector<1x1x128xf32>,
    %slice3A_75 = vector.extract_strided_slice %and3A_48 {offsets = [2, 0], sizes = [1, 256], strides = [1, 1]} : vector<8x256xi1> to vector<1x256xi1>
    %jit3A_76 = arith.constant 0.000000e+00 : f32
    %broadcast_in_dim3A_77 = vector.shape_cast %slice3A_75 : vector<1x256xi1> to vector<1x256xi1>
    %broadcast_in_dim3A_78 = vector.broadcast %broadcast_in_dim3A_77 : vector<1x256xi1> to vector<128x256xi1>
    %broadcast_in_dim3A_79 = vector.broadcast %jit3A_76 : f32 to vector<128x256xf32>
    %select_n3A_80 = arith.select %broadcast_in_dim3A_78, %get3A_21, %broadcast_in_dim3A_79 : vector<128x256xi1>, vector<128x256xf32>
    %reduce_max3A_81 = arith.constant dense<0xFF800000> : vector<128xf32>
    %reduce_max3A_82 = vector.multi_reduction <maximumf>, %select_n3A_80, %reduce_max3A_81 [1] : vector<128x256xf32> to vector<128xf32>
    %broadcast_in_dim3A_83 = vector.shape_cast %reduce_max3A_82 : vector<128xf32> to vector<128x1xf32>
    %reshape3A_84 = vector.shape_cast %broadcast_in_dim3A_83 : vector<128x1xf32> to vector<1x128xf32>
    %swap3A_85 = arith.constant 2 : index
    %swap3A_86 = arith.constant 0 : index
    %swap3A_87 = arith.constant 0 : index
    %swap3A_88 = vector.load %arg4[%swap3A_85, %swap3A_86, %swap3A_87] : memref<8x1x128xf32, #tpu.memory_space<vmem>>, vector<1x1x128xf32>
    %swap3A_89 = vector.shape_cast %swap3A_88 : vector<1x1x128xf32> to vector<1x128xf32>
    %swap3A_90 = vector.shape_cast %reshape3A_84 : vector<1x128xf32> to vector<1x1x128xf32>
    tpu.vector_store %arg4[%swap3A_85, %swap3A_86, %swap3A_87], %swap3A_90 {strides = array<i32>} : memref<8x1x128xf32, #tpu.memory_space<vmem>>, vector<1x1x128xf32>,
    %slice3A_91 = vector.extract_strided_slice %and3A_48 {offsets = [3, 0], sizes = [1, 256], strides = [1, 1]} : vector<8x256xi1> to vector<1x256xi1>
    %jit3A_92 = arith.constant 0.000000e+00 : f32
    %broadcast_in_dim3A_93 = vector.shape_cast %slice3A_91 : vector<1x256xi1> to vector<1x256xi1>
    %broadcast_in_dim3A_94 = vector.broadcast %broadcast_in_dim3A_93 : vector<1x256xi1> to vector<128x256xi1>
    %broadcast_in_dim3A_95 = vector.broadcast %jit3A_92 : f32 to vector<128x256xf32>
    %select_n3A_96 = arith.select %broadcast_in_dim3A_94, %get3A_21, %broadcast_in_dim3A_95 : vector<128x256xi1>, vector<128x256xf32>
    %reduce_max3A_97 = arith.constant dense<0xFF800000> : vector<128xf32>
    %reduce_max3A_98 = vector.multi_reduction <maximumf>, %select_n3A_96, %reduce_max3A_97 [1] : vector<128x256xf32> to vector<128xf32>
    %broadcast_in_dim3A_99 = vector.shape_cast %reduce_max3A_98 : vector<128xf32> to vector<128x1xf32>
    %reshape3A_100 = vector.shape_cast %broadcast_in_dim3A_99 : vector<128x1xf32> to vector<1x128xf32>
    %swap3A_101 = arith.constant 3 : index
    %swap3A_102 = arith.constant 0 : index
    %swap3A_103 = arith.constant 0 : index
    %swap3A_104 = vector.load %arg4[%swap3A_101, %swap3A_102, %swap3A_103] : memref<8x1x128xf32, #tpu.memory_space<vmem>>, vector<1x1x128xf32>
    %swap3A_105 = vector.shape_cast %swap3A_104 : vector<1x1x128xf32> to vector<1x128xf32>
    %swap3A_106 = vector.shape_cast %reshape3A_100 : vector<1x128xf32> to vector<1x1x128xf32>
    tpu.vector_store %arg4[%swap3A_101, %swap3A_102, %swap3A_103], %swap3A_106 {strides = array<i32>} : memref<8x1x128xf32, #tpu.memory_space<vmem>>, vector<1x1x128xf32>,
    %slice3A_107 = vector.extract_strided_slice %and3A_48 {offsets = [4, 0], sizes = [1, 256], strides = [1, 1]} : vector<8x256xi1> to vector<1x256xi1>
    %jit3A_108 = arith.constant 0.000000e+00 : f32
    %broadcast_in_dim3A_109 = vector.shape_cast %slice3A_107 : vector<1x256xi1> to vector<1x256xi1>
    %broadcast_in_dim3A_110 = vector.broadcast %broadcast_in_dim3A_109 : vector<1x256xi1> to vector<128x256xi1>
    %broadcast_in_dim3A_111 = vector.broadcast %jit3A_108 : f32 to vector<128x256xf32>
    %select_n3A_112 = arith.select %broadcast_in_dim3A_110, %get3A_21, %broadcast_in_dim3A_111 : vector<128x256xi1>, vector<128x256xf32>
    %reduce_max3A_113 = arith.constant dense<0xFF800000> : vector<128xf32>
    %reduce_max3A_114 = vector.multi_reduction <maximumf>, %select_n3A_112, %reduce_max3A_113 [1] : vector<128x256xf32> to vector<128xf32>
    %broadcast_in_dim3A_115 = vector.shape_cast %reduce_max3A_114 : vector<128xf32> to vector<128x1xf32>
    %reshape3A_116 = vector.shape_cast %broadcast_in_dim3A_115 : vector<128x1xf32> to vector<1x128xf32>
    %swap3A_117 = arith.constant 4 : index
    %swap3A_118 = arith.constant 0 : index
    %swap3A_119 = arith.constant 0 : index
    %swap3A_120 = vector.load %arg4[%swap3A_117, %swap3A_118, %swap3A_119] : memref<8x1x128xf32, #tpu.memory_space<vmem>>, vector<1x1x128xf32>
    %swap3A_121 = vector.shape_cast %swap3A_120 : vector<1x1x128xf32> to vector<1x128xf32>
    %swap3A_122 = vector.shape_cast %reshape3A_116 : vector<1x128xf32> to vector<1x1x128xf32>
    tpu.vector_store %arg4[%swap3A_117, %swap3A_118, %swap3A_119], %swap3A_122 {strides = array<i32>} : memref<8x1x128xf32, #tpu.memory_space<vmem>>, vector<1x1x128xf32>,
    %slice3A_123 = vector.extract_strided_slice %and3A_48 {offsets = [5, 0], sizes = [1, 256], strides = [1, 1]} : vector<8x256xi1> to vector<1x256xi1>
    %jit3A_124 = arith.constant 0.000000e+00 : f32
    %broadcast_in_dim3A_125 = vector.shape_cast %slice3A_123 : vector<1x256xi1> to vector<1x256xi1>
    %broadcast_in_dim3A_126 = vector.broadcast %broadcast_in_dim3A_125 : vector<1x256xi1> to vector<128x256xi1>
    %broadcast_in_dim3A_127 = vector.broadcast %jit3A_124 : f32 to vector<128x256xf32>
    %select_n3A_128 = arith.select %broadcast_in_dim3A_126, %get3A_21, %broadcast_in_dim3A_127 : vector<128x256xi1>, vector<128x256xf32>
    %reduce_max3A_129 = arith.constant dense<0xFF800000> : vector<128xf32>
    %reduce_max3A_130 = vector.multi_reduction <maximumf>, %select_n3A_128, %reduce_max3A_129 [1] : vector<128x256xf32> to vector<128xf32>
    %broadcast_in_dim3A_131 = vector.shape_cast %reduce_max3A_130 : vector<128xf32> to vector<128x1xf32>
    %reshape3A_132 = vector.shape_cast %broadcast_in_dim3A_131 : vector<128x1xf32> to vector<1x128xf32>
    %swap3A_133 = arith.constant 5 : index
    %swap3A_134 = arith.constant 0 : index
    %swap3A_135 = arith.constant 0 : index
    %swap3A_136 = vector.load %arg4[%swap3A_133, %swap3A_134, %swap3A_135] : memref<8x1x128xf32, #tpu.memory_space<vmem>>, vector<1x1x128xf32>
    %swap3A_137 = vector.shape_cast %swap3A_136 : vector<1x1x128xf32> to vector<1x128xf32>
    %swap3A_138 = vector.shape_cast %reshape3A_132 : vector<1x128xf32> to vector<1x1x128xf32>
    tpu.vector_store %arg4[%swap3A_133, %swap3A_134, %swap3A_135], %swap3A_138 {strides = array<i32>} : memref<8x1x128xf32, #tpu.memory_space<vmem>>, vector<1x1x128xf32>,
    %slice3A_139 = vector.extract_strided_slice %and3A_48 {offsets = [6, 0], sizes = [1, 256], strides = [1, 1]} : vector<8x256xi1> to vector<1x256xi1>
    %jit3A_140 = arith.constant 0.000000e+00 : f32
    %broadcast_in_dim3A_141 = vector.shape_cast %slice3A_139 : vector<1x256xi1> to vector<1x256xi1>
    %broadcast_in_dim3A_142 = vector.broadcast %broadcast_in_dim3A_141 : vector<1x256xi1> to vector<128x256xi1>
    %broadcast_in_dim3A_143 = vector.broadcast %jit3A_140 : f32 to vector<128x256xf32>
    %select_n3A_144 = arith.select %broadcast_in_dim3A_142, %get3A_21, %broadcast_in_dim3A_143 : vector<128x256xi1>, vector<128x256xf32>
    %reduce_max3A_145 = arith.constant dense<0xFF800000> : vector<128xf32>
    %reduce_max3A_146 = vector.multi_reduction <maximumf>, %select_n3A_144, %reduce_max3A_145 [1] : vector<128x256xf32> to vector<128xf32>
    %broadcast_in_dim3A_147 = vector.shape_cast %reduce_max3A_146 : vector<128xf32> to vector<128x1xf32>
    %reshape3A_148 = vector.shape_cast %broadcast_in_dim3A_147 : vector<128x1xf32> to vector<1x128xf32>
    %swap3A_149 = arith.constant 6 : index
    %swap3A_150 = arith.constant 0 : index
    %swap3A_151 = arith.constant 0 : index
    %swap3A_152 = vector.load %arg4[%swap3A_149, %swap3A_150, %swap3A_151] : memref<8x1x128xf32, #tpu.memory_space<vmem>>, vector<1x1x128xf32>
    %swap3A_153 = vector.shape_cast %swap3A_152 : vector<1x1x128xf32> to vector<1x128xf32>
    %swap3A_154 = vector.shape_cast %reshape3A_148 : vector<1x128xf32> to vector<1x1x128xf32>
    tpu.vector_store %arg4[%swap3A_149, %swap3A_150, %swap3A_151], %swap3A_154 {strides = array<i32>} : memref<8x1x128xf32, #tpu.memory_space<vmem>>, vector<1x1x128xf32>,
    %slice3A_155 = vector.extract_strided_slice %and3A_48 {offsets = [7, 0], sizes = [1, 256], strides = [1, 1]} : vector<8x256xi1> to vector<1x256xi1>
    %jit3A_156 = arith.constant 0.000000e+00 : f32
    %broadcast_in_dim3A_157 = vector.shape_cast %slice3A_155 : vector<1x256xi1> to vector<1x256xi1>
    %broadcast_in_dim3A_158 = vector.broadcast %broadcast_in_dim3A_157 : vector<1x256xi1> to vector<128x256xi1>
    %broadcast_in_dim3A_159 = vector.broadcast %jit3A_156 : f32 to vector<128x256xf32>
    %select_n3A_160 = arith.select %broadcast_in_dim3A_158, %get3A_21, %broadcast_in_dim3A_159 : vector<128x256xi1>, vector<128x256xf32>
    %reduce_max3A_161 = arith.constant dense<0xFF800000> : vector<128xf32>
    %reduce_max3A_162 = vector.multi_reduction <maximumf>, %select_n3A_160, %reduce_max3A_161 [1] : vector<128x256xf32> to vector<128xf32>
    %broadcast_in_dim3A_163 = vector.shape_cast %reduce_max3A_162 : vector<128xf32> to vector<128x1xf32>
    %reshape3A_164 = vector.shape_cast %broadcast_in_dim3A_163 : vector<128x1xf32> to vector<1x128xf32>
    %swap3A_165 = arith.constant 7 : index
    %swap3A_166 = arith.constant 0 : index
    %swap3A_167 = arith.constant 0 : index
    %swap3A_168 = vector.load %arg4[%swap3A_165, %swap3A_166, %swap3A_167] : memref<8x1x128xf32, #tpu.memory_space<vmem>>, vector<1x1x128xf32>
    %swap3A_169 = vector.shape_cast %swap3A_168 : vector<1x1x128xf32> to vector<1x128xf32>
    %swap3A_170 = vector.shape_cast %reshape3A_164 : vector<1x128xf32> to vector<1x1x128xf32>
    tpu.vector_store %arg4[%swap3A_165, %swap3A_166, %swap3A_167], %swap3A_170 {strides = array<i32>} : memref<8x1x128xf32, #tpu.memory_space<vmem>>, vector<1x1x128xf32>,
    return
  }
  func.func @transform_0(%arg0: i32) -> (i32, i32) {
    %c0_i32 = arith.constant 0 : i32
    %c0_i32_0 = arith.constant 0 : i32
    return %arg0, %c0_i32 : i32, i32
  }
  func.func @transform_1(%arg0: i32) -> (i32, i32) {
    %c0_i32 = arith.constant 0 : i32
    %c0_i32_0 = arith.constant 0 : i32
    %c0_i32_1 = arith.constant 0 : i32
    return %c0_i32, %c0_i32_0 : i32, i32
  }
  func.func @transform_2(%arg0: i32) -> (i32, i32) {
    %c0_i32 = arith.constant 0 : i32
    %c0_i32_0 = arith.constant 0 : i32
    %c0_i32_1 = arith.constant 0 : i32
    return %c0_i32, %c0_i32_0 : i32, i32
  }
  func.func @transform_3(%arg0: i32) -> (i32, i32, i32) {
    %c0_i32 = arith.constant 0 : i32
    %c0_i32_0 = arith.constant 0 : i32
    %c0_i32_1 = arith.constant 0 : i32
    return %arg0, %c0_i32, %c0_i32_0 : i32, i32, i32
  }
}

module attributes {stable_mosaic.version = 14 : i64} {
  func.func @_head_body(%arg0: memref<1024x256xi16, #tpu.memory_space<vmem>>, %arg1: memref<256x128xf32, #tpu.memory_space<vmem>>, %arg2: memref<256x4xf32, #tpu.memory_space<vmem>>, %arg3: memref<256x128xf32, #tpu.memory_space<vmem>>, %arg4: memref<128x512xf32, #tpu.memory_space<vmem>>, %arg5: memref<1x128xf32, #tpu.memory_space<vmem>>, %arg6: memref<256x128xf32, #tpu.memory_space<vmem>>) attributes {dimension_semantics = [], scalar_prefetch = 0 : i64, scratch_operands = 0 : i64, tpu.core_type = #tpu.core_type<tc>} {
    %get3A = arith.constant 0 : index
    %get3A_0 = arith.constant 0 : index
    %get3A_1 = vector.load %arg0[%get3A, %get3A_0] : memref<1024x256xi16, #tpu.memory_space<vmem>>, vector<1024x256xi16>
    %convert_element_type3A = arith.extui %get3A_1 : vector<1024x256xi16> to vector<1024x256xi32>
    %slice3A = vector.extract_strided_slice %convert_element_type3A {offsets = [0, 0], sizes = [256, 256], strides = [1, 1]} : vector<1024x256xi32> to vector<256x256xi32>
    %slice3A_2 = vector.extract_strided_slice %convert_element_type3A {offsets = [256, 0], sizes = [256, 256], strides = [1, 1]} : vector<1024x256xi32> to vector<256x256xi32>
    %max3A = arith.maxsi %slice3A, %slice3A_2 : vector<256x256xi32>
    %slice3A_3 = vector.extract_strided_slice %convert_element_type3A {offsets = [512, 0], sizes = [256, 256], strides = [1, 1]} : vector<1024x256xi32> to vector<256x256xi32>
    %slice3A_4 = vector.extract_strided_slice %convert_element_type3A {offsets = [768, 0], sizes = [256, 256], strides = [1, 1]} : vector<1024x256xi32> to vector<256x256xi32>
    %max3A_5 = arith.maxsi %slice3A_3, %slice3A_4 : vector<256x256xi32>
    %max3A_6 = arith.maxsi %max3A, %max3A_5 : vector<256x256xi32>
    %ge3A = arith.constant 32768 : i32
    %ge3A_7 = vector.broadcast %ge3A : i32 to vector<256x256xi32>
    %ge3A_8 = arith.cmpi sge, %max3A_6, %ge3A_7 : vector<256x256xi32>
    %sub3A = arith.constant 32768 : i32
    %sub3A_9 = vector.broadcast %sub3A : i32 to vector<256x256xi32>
    %sub3A_10 = arith.subi %max3A_6, %sub3A_9 : vector<256x256xi32>
    %sub3A_11 = arith.constant 65535 : i32
    %sub3A_12 = vector.broadcast %sub3A_11 : i32 to vector<256x256xi32>
    %sub3A_13 = arith.subi %sub3A_12, %max3A_6 : vector<256x256xi32>
    %select_n3A = arith.select %ge3A_8, %sub3A_10, %sub3A_13 : vector<256x256xi1>, vector<256x256xi32>
    %shift_right_arithmetic3A = arith.constant 15 : i32
    %shift_right_arithmetic3A_14 = vector.broadcast %shift_right_arithmetic3A : i32 to vector<256x256xi32>
    %shift_right_arithmetic3A_15 = arith.shrsi %select_n3A, %shift_right_arithmetic3A_14 : vector<256x256xi32>
    %shift_right_arithmetic3A_16 = arith.constant 10 : i32
    %shift_right_arithmetic3A_17 = vector.broadcast %shift_right_arithmetic3A_16 : i32 to vector<256x256xi32>
    %shift_right_arithmetic3A_18 = arith.shrsi %select_n3A, %shift_right_arithmetic3A_17 : vector<256x256xi32>
    %and3A = arith.constant 31 : i32
    %and3A_19 = vector.broadcast %and3A : i32 to vector<256x256xi32>
    %and3A_20 = arith.andi %shift_right_arithmetic3A_18, %and3A_19 : vector<256x256xi32>
    %and3A_21 = arith.constant 1023 : i32
    %and3A_22 = vector.broadcast %and3A_21 : i32 to vector<256x256xi32>
    %and3A_23 = arith.andi %select_n3A, %and3A_22 : vector<256x256xi32>
    %shift_left3A = arith.constant 31 : i32
    %shift_left3A_24 = vector.broadcast %shift_left3A : i32 to vector<256x256xi32>
    %shift_left3A_25 = arith.shli %shift_right_arithmetic3A_15, %shift_left3A_24 : vector<256x256xi32>
    %add3A = arith.constant 112 : i32
    %add3A_26 = vector.broadcast %add3A : i32 to vector<256x256xi32>
    %add3A_27 = arith.addi %and3A_20, %add3A_26 : vector<256x256xi32>
    %shift_left3A_28 = arith.constant 23 : i32
    %shift_left3A_29 = vector.broadcast %shift_left3A_28 : i32 to vector<256x256xi32>
    %shift_left3A_30 = arith.shli %add3A_27, %shift_left3A_29 : vector<256x256xi32>
    %or3A = arith.ori %shift_left3A_25, %shift_left3A_30 : vector<256x256xi32>
    %shift_left3A_31 = arith.constant 13 : i32
    %shift_left3A_32 = vector.broadcast %shift_left3A_31 : i32 to vector<256x256xi32>
    %shift_left3A_33 = arith.shli %and3A_23, %shift_left3A_32 : vector<256x256xi32>
    %or3A_34 = arith.ori %or3A, %shift_left3A_33 : vector<256x256xi32>
    %bitcast_convert_type3A = tpu.bitcast %or3A_34 : vector<256x256xi32> -> vector<256x256xf32>
    %convert_element_type3A_35 = arith.sitofp %and3A_23 : vector<256x256xi32> to vector<256x256xf32>
    %mul3A = arith.constant 5.96046448E-8 : f32
    %mul3A_36 = vector.broadcast %mul3A : f32 to vector<256x256xf32>
    %mul3A_37 = arith.mulf %convert_element_type3A_35, %mul3A_36 : vector<256x256xf32>
    %eq3A = arith.constant 1 : i32
    %eq3A_38 = vector.broadcast %eq3A : i32 to vector<256x256xi32>
    %eq3A_39 = arith.cmpi eq, %shift_right_arithmetic3A_15, %eq3A_38 : vector<256x256xi32>
    %neg3A = arith.constant 0.000000e+00 : f32
    %neg3A_40 = vector.broadcast %neg3A : f32 to vector<256x256xf32>
    %neg3A_41 = arith.subf %neg3A_40, %mul3A_37 : vector<256x256xf32>
    %select_n3A_42 = arith.select %eq3A_39, %neg3A_41, %mul3A_37 : vector<256x256xi1>, vector<256x256xf32>
    %eq3A_43 = arith.constant 0 : i32
    %eq3A_44 = vector.broadcast %eq3A_43 : i32 to vector<256x256xi32>
    %eq3A_45 = arith.cmpi eq, %and3A_20, %eq3A_44 : vector<256x256xi32>
    %select_n3A_46 = arith.select %eq3A_45, %select_n3A_42, %bitcast_convert_type3A : vector<256x256xi1>, vector<256x256xf32>
    %get3A_47 = arith.constant 0 : index
    %get3A_48 = arith.constant 0 : index
    %get3A_49 = vector.load %arg1[%get3A_47, %get3A_48] : memref<256x128xf32, #tpu.memory_space<vmem>>, vector<256x128xf32>
    %get3A_50 = arith.constant 0 : index
    %get3A_51 = arith.constant 0 : index
    %get3A_52 = vector.load %arg2[%get3A_50, %get3A_51] : memref<256x4xf32, #tpu.memory_space<vmem>>, vector<256x4xf32>
    %reduce_sum3A = arith.constant dense<0.000000e+00> : vector<256xf32>
    %reduce_sum3A_53 = vector.multi_reduction <add>, %get3A_52, %reduce_sum3A [1] : vector<256x4xf32> to vector<256xf32>
    %broadcast_in_dim3A = vector.shape_cast %reduce_sum3A_53 : vector<256xf32> to vector<256x1xf32>
    %lt3A = arith.constant 1.024000e+03 : f32
    %lt3A_54 = vector.broadcast %lt3A : f32 to vector<256x1xf32>
    %lt3A_55 = arith.cmpf olt, %broadcast_in_dim3A, %lt3A_54 : vector<256x1xf32>
    %jit3A = arith.constant 0.000000e+00 : f32
    %jit3A_56 = arith.constant -3.000000e+38 : f32
    %broadcast_in_dim3A_57 = vector.broadcast %jit3A : f32 to vector<256x1xf32>
    %broadcast_in_dim3A_58 = vector.broadcast %jit3A_56 : f32 to vector<256x1xf32>
    %select_n3A_59 = arith.select %lt3A_55, %broadcast_in_dim3A_57, %broadcast_in_dim3A_58 : vector<256x1xi1>, vector<256x1xf32>
    %max3A_60 = vector.broadcast %select_n3A_59 : vector<256x1xf32> to vector<256x256xf32>
    %max3A_61 = arith.maximumf %select_n3A_46, %max3A_60 : vector<256x256xf32>
    %get3A_62 = arith.constant 0 : index
    %get3A_63 = arith.constant 0 : index
    %get3A_64 = vector.load %arg4[%get3A_62, %get3A_63] : memref<128x512xf32, #tpu.memory_space<vmem>>, vector<128x512xf32>
    %slice3A_65 = vector.extract_strided_slice %get3A_64 {offsets = [0, 0], sizes = [128, 256], strides = [1, 1]} : vector<128x512xf32> to vector<128x256xf32>
    %dot_general3A = arith.constant dense<0.000000e+00> : vector<256x128xf32>
    %dot_general3A_66 = tpu.matmul %max3A_61, %slice3A_65, %dot_general3A {dimension_numbers = #tpu.dot_dimension_numbers<[1], [1], [0], [0], [0, 0, 1, 0], [], []>, transpose_lhs_hint = false} : vector<256x256xf32>, vector<128x256xf32>, vector<256x128xf32> -> vector<256x128xf32>
    %slice3A_67 = vector.extract_strided_slice %get3A_64 {offsets = [0, 256], sizes = [128, 128], strides = [1, 1]} : vector<128x512xf32> to vector<128x128xf32>
    %dot_general3A_68 = arith.constant dense<0.000000e+00> : vector<256x128xf32>
    %dot_general3A_69 = tpu.matmul %get3A_49, %slice3A_67, %dot_general3A_68 {dimension_numbers = #tpu.dot_dimension_numbers<[1], [1], [0], [0], [0, 0, 1, 0], [], []>, transpose_lhs_hint = false} : vector<256x128xf32>, vector<128x128xf32>, vector<256x128xf32> -> vector<256x128xf32>
    %add3A_70 = arith.addf %dot_general3A_66, %dot_general3A_69 : vector<256x128xf32>
    %get3A_71 = arith.constant 0 : index
    %get3A_72 = arith.constant 0 : index
    %get3A_73 = vector.load %arg3[%get3A_71, %get3A_72] : memref<256x128xf32, #tpu.memory_space<vmem>>, vector<256x128xf32>
    %slice3A_74 = vector.extract_strided_slice %get3A_64 {offsets = [0, 384], sizes = [128, 128], strides = [1, 1]} : vector<128x512xf32> to vector<128x128xf32>
    %dot_general3A_75 = arith.constant dense<0.000000e+00> : vector<256x128xf32>
    %dot_general3A_76 = tpu.matmul %get3A_73, %slice3A_74, %dot_general3A_75 {dimension_numbers = #tpu.dot_dimension_numbers<[1], [1], [0], [0], [0, 0, 1, 0], [], []>, transpose_lhs_hint = false} : vector<256x128xf32>, vector<128x128xf32>, vector<256x128xf32> -> vector<256x128xf32>
    %add3A_77 = arith.addf %add3A_70, %dot_general3A_76 : vector<256x128xf32>
    %get3A_78 = arith.constant 0 : index
    %get3A_79 = arith.constant 0 : index
    %get3A_80 = vector.load %arg5[%get3A_78, %get3A_79] : memref<1x128xf32, #tpu.memory_space<vmem>>, vector<1x128xf32>
    %add3A_81 = vector.broadcast %get3A_80 : vector<1x128xf32> to vector<256x128xf32>
    %add3A_82 = arith.addf %add3A_77, %add3A_81 : vector<256x128xf32>
    %add3A_83 = arith.constant 9.99999997E-7 : f32
    %add3A_84 = vector.broadcast %add3A_83 : f32 to vector<256x128xf32>
    %add3A_85 = arith.addf %add3A_82, %add3A_84 : vector<256x128xf32>
    %abs3A = math.absf %add3A_85 : vector<256x128xf32>
    %add3A_86 = arith.constant 1.000000e+00 : f32
    %add3A_87 = vector.broadcast %add3A_86 : f32 to vector<256x128xf32>
    %add3A_88 = arith.addf %add3A_87, %abs3A : vector<256x128xf32>
    %div3A = arith.divf %abs3A, %add3A_88 : vector<256x128xf32>
    %swap3A = arith.constant 0 : index
    %swap3A_89 = arith.constant 0 : index
    %swap3A_90 = vector.load %arg6[%swap3A, %swap3A_89] : memref<256x128xf32, #tpu.memory_space<vmem>>, vector<256x128xf32>
    tpu.vector_store %arg6[%swap3A, %swap3A_89], %div3A {strides = array<i32>} : memref<256x128xf32, #tpu.memory_space<vmem>>, vector<256x128xf32>,
    return
  }
}

</mosaic_0001>

<sc_bundles>
// kernel: kernel.5.cloned.1.call-start
scs
__scs_entry_jumppad:
0x0: {  	(pc) =	sbr.rel $0x88, $3  }
0x1: {  	(tag) =	ssettag $0x0;
	lr =	simm.s32 $0x1  }
0x2: {  	[smem:$0x3F99] =	sst lr;
	_ =	strace $0xD0000000  }
0x3: {  	_ = 	snop  }
0x4: {  	_ = 	snop  }
0x5: {  	_ = 	snop  }
0x6: {  	_ = 	snop  }
0x7: {  	_ = 	snop  }
__scs_overlays_trampoline_lowered:
0x8: {  	[smem:$0x3FA8] =	sst s0  }
0x9: {  	[smem:$0x3FA9] =	sst s1  }
0xa: {  	[smem:$0x3FAA] =	sst s2  }
0xb: {  	[smem:$0x3FAB] =	sst s3  }
0xc: {  	[smem:$0x3FAC] =	sst s4  }
0xd: {  	[smem:$0x3FAD] =	sst s5  }
0xe: {  	[smem:$0x3FAE] =	sst s6  }
0xf: {  	[smem:$0x3FAF] =	sst s7  }
0x10: {  	[smem:$0x3FB0] =	sst s8  }
0x11: {  	[smem:$0x3FB1] =	sst s9;
	s0 =	simm.s32 @!p0 $0x0  }
0x12: {  	s1 =	sld [smem:$0x3F97];
	s0 =	simm.s32 @p0 $0x1  }
0x13: {  	[smem:$0x3FB2] =	sst s0;
	s0 =	simm.s32 @!p1 $0x0  }
0x14: {  	s2 =	sld [smem:$0x3F96];
	s0 =	simm.s32 @p1 $0x1  }
0x15: {  	[smem:$0x3FB3] =	sst s0;
	s0 =	simm.s32 @!p2 $0x0  }
0x16: {  	s3 =	sld [smem:$0x3FDB];
	s0 =	simm.s32 @p2 $0x1  }
0x17: {  	s4 =	simm.s32 $0x1BF5;
	[smem:$0x3FB5] =	sst s0  }
0x18: {  	s0 =	sld [smem:$0x3F98];
	_ =	swait.ge [sflag:s4], $0x0  }
0x19: {  	s7 =	sld [smem:$0x3F99]  }
0x1a: {  	s8 =	sadd.s32 $0xFFFFE003, lr  }
0x1b: {  	s9 =	sadd.s32 $0xFFFFFEF7, lr;
	s5 =	simm.s32 $0xFFFFFFFF;
	p2 =	slt.u32 s8, $0xFFFFF086  }
0x1c: {  	p1 =	slt.u32 s9, $0xF7A;
	s5 =	simm.s32 @!p2 $0x0  }
0x1d: {  	s5 =	simm.s32 @p1 $0x1;
	p0 =	seq.s32 s7, s2  }
0x1e: {  	s7 =	smul.u32 @!p0 $0xF7A, s2;
	p2 =	seq.s32 @!p0 s5, $0x0  }
0x1f: {  	s9 =	smul.u32 $0xF7A, s1;
	s8 =	simm.s32 @!p0 $0x1BF5;
	p2 =	por !p2, p0  }
0x20: {  	[sflag:s8] =	ssyncset.s32 @!p0 $0xFFFFF086;
	s6 =	sadd.s32 @!p0 s3, s7;
	s7 =	simm.s32 @!p0 $0x108  }
0x21: {  	s3 =	sadd.s32 s3, s9;
	s6 =	sadd.s32 @!p0 $0x88, s6;
	s7 =	simm.s32 @p2 $0x1082  }
0x22: {  	[simem:s7], [sflag:s8] =	dma.local @!p0 [hbm:s6], $0xF7A  }
0x23: {  	s9 =	sor.u32 $0xD0000000, s2;
	s6 =	simm.s32 $0x108;
	_ =	swait.ge @!p0 [sflag:s8], $0x0  }
0x24: {  	s3 =	sadd.s32 $0x88, s3;
	s6 =	simm.s32 @!p1 $0x1082;
	[sflag:s4] =	ssyncset.s32 $0xFFFFF086  }
0x25: {  	[simem:s6], [sflag:s4] =	dma.local [hbm:s3], $0xF7A  }
0x26: {  	[smem:$0x3F99] =	sst s1;
	(tag) =	ssettag s2;
	_ =	strace s9  }
0x27: {  	s1 =	sld [smem:$0x3FA9]  }
0x28: {  	s2 =	sld [smem:$0x3FAA]  }
0x29: {  	s4 =	sld [smem:$0x3FAC]  }
0x2a: {  	p0 =	seq.s32 s5, $0x0;
	s5 =	sld [smem:$0x3FAD]  }
0x2b: {  	s6 =	sld [smem:$0x3FAE]  }
0x2c: {  	s7 =	sld [smem:$0x3FAF]  }
0x2d: {  	s3 =	simm.s32 $0x108;
	s8 =	sld [smem:$0x3FB0]  }
0x2e: {  	s3 =	simm.s32 @!p0 $0x1082;
	s9 =	sld [smem:$0x3FB1]  }
0x2f: {  	lr =	sadd.s32 s0, s3;
	s0 =	sld [smem:$0x3FA8]  }
0x30: {  	s3 =	sld [smem:$0x3FAB]  }
0x31: {  	[smem:$0x3FB4] =	sst s10  }
0x32: {  	s10 =	sld [smem:$0x3FB2];
	_ =	sdelay $0x3  }
0x33: {  	p0 =	seq.s32 s10, $0x1;
	s10 =	sld [smem:$0x3FB4];
	_ =	sdelay $0x3  }
0x34: {  	[smem:$0x3FB4] =	sst s10  }
0x35: {  	s10 =	sld [smem:$0x3FB3];
	_ =	sdelay $0x3  }
0x36: {  	p1 =	seq.s32 s10, $0x1;
	s10 =	sld [smem:$0x3FB4];
	_ =	sdelay $0x3  }
0x37: {  	[smem:$0x3FB4] =	sst s10  }
0x38: {  	s10 =	sld [smem:$0x3FB5]  }
0x39: {  	_ = 	snop;
	(pc) =	sbr.ind lr, $3  }
0x3a: {  	_ = 	snop  }
0x3b: {  	_ = 	snop  }
0x3c: {  	p2 =	seq.s32 s10, $0x1;
	s10 =	sld [smem:$0x3FB4]  }
0x3d: {  	_ =	shalt  }
0x3e: {  	_ =	shalt  }
0x3f: {  	_ =	shalt  }
0x40: {  	_ =	shalt  }
0x41: {  	_ =	shalt  }
0x42: {  	_ =	shalt  }
0x43: {  	_ =	shalt  }
0x44: {  	_ =	shalt  }
0x45: {  	_ =	shalt  }
0x46: {  	_ =	shalt  }
0x47: {  	_ =	shalt  }
0x48: {  	_ =	shalt  }
0x49: {  	_ =	shalt  }
0x4a: {  	_ =	shalt  }
0x4b: {  	_ =	shalt  }
0x4c: {  	_ =	shalt  }
0x4d: {  	_ =	shalt  }
0x4e: {  	_ =	shalt  }
0x4f: {  	_ =	shalt  }
0x50: {  	_ =	shalt  }
0x51: {  	_ =	shalt  }
0x52: {  	_ =	shalt  }
0x53: {  	_ =	shalt  }
0x54: {  	_ =	shalt  }
0x55: {  	_ =	shalt  }
0x56: {  	_ =	shalt  }
0x57: {  	_ =	shalt  }
0x58: {  	_ =	shalt  }
0x59: {  	_ =	shalt  }
0x5a: {  	_ =	shalt  }
0x5b: {  	_ =	shalt  }
0x5c: {  	_ =	shalt  }
0x5d: {  	_ =	shalt  }
0x5e: {  	_ =	shalt  }
0x5f: {  	_ =	shalt  }
0x60: {  	_ =	shalt  }
0x61: {  	_ =	shalt  }
0x62: {  	_ =	shalt  }
0x63: {  	_ =	shalt  }
0x64: {  	_ =	shalt  }
0x65: {  	_ =	shalt  }
0x66: {  	_ =	shalt  }
0x67: {  	_ =	shalt  }
0x68: {  	_ =	shalt  }
0x69: {  	_ =	shalt  }
0x6a: {  	_ =	shalt  }
0x6b: {  	_ =	shalt  }
0x6c: {  	_ =	shalt  }
0x6d: {  	_ =	shalt  }
0x6e: {  	_ =	shalt  }
0x6f: {  	_ =	shalt  }
0x70: {  	_ =	shalt  }
0x71: {  	_ =	shalt  }
0x72: {  	_ =	shalt  }
0x73: {  	_ =	shalt  }
0x74: {  	_ =	shalt  }
0x75: {  	_ =	shalt  }
0x76: {  	_ =	shalt  }
0x77: {  	_ =	shalt  }
0x78: {  	_ =	shalt  }
0x79: {  	_ =	shalt  }
0x7a: {  	_ =	shalt  }
0x7b: {  	_ =	shalt  }
0x7c: {  	_ =	shalt  }
0x7d: {  	_ =	shalt  }
0x7e: {  	_ =	shalt  }
0x7f: {  	_ =	shalt  }
0x80: {  	_ =	shalt  }
0x81: {  	_ =	shalt  }
0x82: {  	_ =	shalt  }
0x83: {  	_ =	shalt  }
0x84: {  	_ =	shalt  }
0x85: {  	_ =	shalt  }
0x86: {  	_ =	shalt  }
0x87: {  	_ =	shalt  }
.Lfunc_end0:
.L_simem_size_0:
called_computation_lowered:
.L_overlay_start_0:
0x88: {  	s2 =	sld [smem:$0x3FD9]  }
0x89: {  	s3 =	sld [smem:$0x3FFE];
	_ =	sdelay $0x1  }
0x8a: {  	s1 =	srdreg.scid  }
0x8b: {  	s0 =	sand.u32 $0x1, s1  }
0x8c: {  	s17 =	sshll.u32 s0, $0xA;
	s2 =	sadd.s32 s3, s2  }
0x8d: {  	s2 =	sadd.s32 s2, s17  }
0x8e: {  	[smem:$0x3FC0] =	sst s2  }
0x8f: {  	_ = 	snop  }
0x90: {  	s2 =	sld [smem:$0x3FD0];
	(tm) =	ssettm $0x1  }
0x91: {  	s18 =	sld [smem:$0x3FFB];
	_ =	sdelay $0x3  }
0x92: {  	_ =	strace s18  }
0x93: {  	s3 =	sld [smem:$0x3FFC];
	_ =	sdelay $0x3  }
0x94: {  	_ =	strace s3  }
0x95: {  	s3 =	sld [smem:$0x3FFD];
	_ =	sdelay $0x3  }
0x96: {  	_ =	strace s3  }
0x97: {  	_ =	strace $0x8FFFFFFF  }
0x98: {  	s19 =	sld [smem:$0x3FDB];
	_ =	sdelay $0x1  }
0x99: {  	s4 =	simm.s32 $_scs_section_size  }
0x9a: {  	s5 =	simm.s32 $_size__tile_overlayer_lowered;
	s6 =	simm.s32 $_tile_overlayer_lowered  }
0x9b: {  	s22 =	simm.s32 $0x1BFF;
	s21 =	sshll.u32 s6, $0x1;
	s3 =	sadd.s32 s4, s19  }
0x9c: {  	s7 =	simm.s32 $0x0;
	s20 =	sshll.u32 s5, $0x1;
	s5 =	sadd.s32 s21, s3  }
0x9d: {  	[timem:s7], [sflag:s22] =	dma.local [hbm:s5], s20  }
0x9e: {  	_ =	swait.ge [sflag:s22], s20  }
0x9f: {  	s4 =	ssub.s32 $0x0, s20;
	[sflag:s22] =	ssyncset.done $0x0  }
0xa0: {  	[sflag:s22] =	ssyncadd.s32 s4;
	_ =	sdelay $0x1  }
0xa1: {  	s23 =	simm.s32 $0x1B8B  }
0xa2: {  	_ =	swait.ge [sflag:s23], $0x1  }
0xa3: {  	[sflag:s23] =	ssyncset.done $0x0  }
0xa4: {  	s25 =	simm.s32 $0x1B8E;
	s24 =	sld [smem:$0x3FFE];
	[sflag:s23] =	ssyncadd.s32 $0xFFFFFFFF  }
0xa5: {  	s26 =	simm.s32 $execute0_lowered;
	[smem:$0x3FD2] =	sst s25  }
0xa6: {  	s5 =	sshll.u32 s26, $0x1;
	_ =	strace $0x80000046;
	[dreg:$0x1] =	wrdreg $0xFFFFFFFF  }
0xa7: {  	s28 =	simm.s32 $_size_execute0_lowered;
	s3 =	sadd.s32 s3, s5;
	[dreg:$0x0] =	wrdreg $0x0  }
0xa8: {  	s5 =	sshll.u32 s28, $0x1;
	[dreg:$0x2] =	wrdreg s3  }
0xa9: {  	[dreg:$0x3] =	wrdreg s5  }
0xaa: {  	[dreg:$0x4] =	wrdreg $0xC0  }
0xab: {  	_ =	task [dreg:s7], $0x5FFFF  }
0xac: {  	[dreg:$0x1] =	wrdreg $0xFFFFFFFF  }
0xad: {  	[dreg:$0x0] =	wrdreg $0x60  }
0xae: {  	[dreg:$0x2] =	wrdreg s24  }
0xaf: {  	[dreg:$0x3] =	wrdreg s2  }
0xb0: {  	[dreg:$0x4] =	wrdreg $0x9  }
0xb1: {  	_ =	task.clear_ibuf [dreg:s7], $0x5FFFF;
	_ =	strace $0x90000046  }
0xb2: {  	s29 =	simm.s32 $0x9;
	_ =	strace $0x80000048  }
0xb3: {  	_ =	swait.ge [sflag:s29], $0x1  }
0xb4: {  	[sflag:s29] =	ssyncadd.s32 $0xFFFFFFFF  }
0xb5: {  	_ =	strace $0x90000048  }
0xb6: {  	_ =	sfence  }
0xb7: {  	s30 =	sld [smem:$0x0];
	_ =	sdelay $0x2  }
0xb8: {  	s31 =	sshll.u32 s1, $0xD;
	s1 =	sshrl.u32 s1, $0x2  }
0xb9: {  	s3 =	sand.u32 $0x4000, s31;
	s1 =	sadd.s32 s1, s30  }
0xba: {  	s0 =	sor.u32 s3, s0;
	s1 =	sshll.u32 s1, $0x11  }
0xbb: {  	s0 =	sor.u32 s1, s0  }
0xbc: {  	s0 =	sadd.s32 $0x8F2B, s0  }
0xbd: {  	[sflag:s0] =	ssyncadd.remote.s32 $0x1  }
0xbe: {  	_ =	sfence.sel $0xFFFF  }
0xbf: {  	[dreg:$0x0] =	wrdreg $0xFFFFFFFF;
	(pc) =	sbr.abs _section_cstart, $3  }
0xc0: {  	[dreg:$0x1] =	wrdreg $0xFFFFFFFF  }
0xc1: {  	_ =	task.clear_ibuf [dreg:s7], $0x2FFFF;
	_ =	strace $0x9FFFFFFF  }
0xc2: {  	(tm) =	ssettm $0x7FFFFFFF  }
0xc3: {  	_ =	shalt  }
tec
execute0_lowered:
.L_overlay_start_1:
0x0: {  	(tag) =	ssettag $0x1  }
0x1: {  	s5 =	rddreg [dreg:$0x0]  }
0x2: {  	s1 =	rddreg [dreg:$0x1]  }
0x3: {  	s3 =	simm.s32 $0x0;
	s2 =	stileid.u32;
	s4 =	srdreg.scid  }
0x4: {  	s13 =	simm.s32 $0x1;
	s15 =	simm.s32 $0x9600;
	s16 =	simm.s32 $0xA600  }
0x5: {  	[smem:$0x7FF] =	sst s3;
	s7 =	sshrl.u32 s2, $0x2;
	s6 =	sand.u32 $0x1, s4  }
0x6: {  	s8 =	sshll.u32 s2, $0x1;
	s4 =	sadd.s32 $0x5800, s5;
	_ =	strace $0x80000047  }
0x7: {  	s9 =	sshll.u32 s7, $0xC;
	s8 =	sor.u32 s6, s8;
	s6 =	ssub.s32 $0x2, s6  }
0x8: {  	s7 =	sshll.u32 s7, $0x8;
	s9 =	sadd.s32 s9, s5;
	s10 =	sshll.u32 s8, $0x9  }
0x9: {  	s11 =	sshll.u32 s8, $0x2;
	s12 =	sshrl.u32 s6, $0x1;
	s31 =	sshll.u32 s8, $0x5  }
.Ltmp0:
0xa: {  	s17 =	sadd.s32 $0x600, s7;
	s10 =	sadd.s32 s10, s5;
	(pc) =	sbr.rel .LBB2_1-.Ltmp0, $4  }
0xb: {  	s11 =	sadd.s32 s11, s5;
	s12 =	ssub.s32 s6, s12;
	s5 =	sadd.s32 $0x1800, s9  }
0xc: {  	s6 =	sand.u32 $0xE0, s31;
	v1 =	vmov s17;
	s17 =	simm.s32 $0x0;
	s7 =	sadd.s32 $0x5A00, s10  }
0xd: {  	s8 =	sadd.s32 $0x9A00, s11;
	s9 =	smax.u32 s12, $0x1;
	s10 =	simm.s32 $0x1600  }
0xe: {  	v0 =	vlaneseq.u32;
	s11 =	simm.s32 $0x2;
	s12 =	simm.s32 $0x600;
	s14 =	sand.u32 $0xF8, s6  }
.LBB2_73:
0xf: {  	[hbm4b:s7+s3] =	stream.linear.scatter [tilespmem:s15], [sflag:$0x2], $0x1000, $0x38;
	[tilespmem:$0xA630] =	vst v63  }
0x10: {  	s17 =	sadd.s32 $0x1, s17;
	_ =	swait.ge [sflag:s11], $0x1000  }
0x11: {  	p0 =	sne.s32 s17, s9;
	[sflag:s11] =	ssyncset.done $0x0  }
.Ltmp1:
0x12: {  	[sflag:s11] =	ssyncadd.s32 $0xFFFFF000;
	(pc) =	sbr.rel @!p0 .LBB2_74-.Ltmp1, $4  }
0x13: {  	[hbm4b:s8+s3] =	stream.linear.scatter [tilespmem:s16], [sflag:$0x2], $0x20, $0x38;
	[tilespmem:$0xA630] =	vst v63  }
0x14: {  	_ =	swait.ge [sflag:s11], $0x20  }
0x15: {  	[sflag:s11] =	ssyncset.done $0x0  }
0x16: {  	[sflag:s11] =	ssyncadd.s32 $0xFFFFFFE0  }
.LBB2_1:
0x17: {  	[tilespmem:s10], [sflag:$0x1] =	stream.linear.gather [hbm4b:s5+s3], $0x8000, $0x38;
	[tilespmem:$0xA630] =	vst v63  }
0x18: {  	_ = 	snop  }
0x19: {  	[tilespmem:s3], [sflag:$0x2] =	stream.linear.gather [hbm4b:s4+s3], $0x600, $0x38;
	[tilespmem:$0xA630] =	vst v63  }
0x1a: {  	_ =	swait.ge [sflag:s11], $0x600  }
0x1b: {  	[sflag:s11] =	ssyncset.done $0x0  }
0x1c: {  	[sflag:s11] =	ssyncadd.s32 $0xFFFFFA00  }
0x1d: {  	[tilespmem:s12], [sflag:$0x2] =	stream.linear.gather [hbm4b:s1+s3], $0xC00, $0x38;
	[tilespmem:$0xA630] =	vst v63  }
0x1e: {  	_ =	swait.ge [sflag:s11], $0xC00  }
.Ltmp2:
0x1f: {  	[sflag:s11] =	ssyncset.done $0x0;
	(pc) =	sbr.rel .LBB2_2-.Ltmp2, $4  }
0x20: {  	[sflag:s11] =	ssyncadd.s32 $0xFFFFF400  }
0x21: {  	_ =	swait.ge [sflag:s13], $0x8000  }
0x22: {  	[sflag:s13] =	ssyncset.done $0x0  }
0x23: {  	s18 =	simm.s32 $0x0;
	[sflag:s13] =	ssyncadd.s32 $0xFFFF8000  }
.LBB2_72:
0x24: {  	s0 =	sshll.u32 s18, $0x7  }
0x25: {  	s0 =	sand.u32 $0x3FFFFF80, s0  }
0x26: {  	[tilespmem:s0+$0x9600] =	vst v15  }
0x27: {  	[tilespmem:s0+$0x9610] =	vst v14  }
0x28: {  	[tilespmem:s0+$0x9620] =	vst v13  }
0x29: {  	[tilespmem:s0+$0x9630] =	vst v12  }
0x2a: {  	[tilespmem:s0+$0x9640] =	vst v11  }
0x2b: {  	s19 =	scvt.s32.f32 s19;
	[tilespmem:s0+$0x9650] =	vst v10  }
0x2c: {  	[tilespmem:s0+$0x9660] =	vst v9  }
0x2d: {  	[tilespmem:s0+$0x9670] =	vst v8;
	v2 =	vmov s19  }
0x2e: {  	[tilespmem:s18+$0xA600] =	vst v2;
	s18 =	sadd.s32 $0x1, s18  }
0x2f: {  	p0 =	sne.s32 s18, $0x20  }
.Ltmp3:
0x30: {  	_ = 	snop;
	(pc) =	sbr.rel @!p0 .LBB2_73-.Ltmp3, $1  }
0x31: {  	_ =	sdelay $0x3  }
.LBB2_2:
0x32: {  	s19 =	sor.u32 s6, s18;
	s20 =	sand.u32 $0xFF, s18  }
0x33: {  	v2 =	vld [tilespmem:s19+$0x0];
	s25 =	sor.u32 s14, s20  }
0x34: {  	v3 =	vld [tilespmem:s25+$0x100]  }
0x35: {  	v4 =	vld [tilespmem:s25+$0x200]  }
0x36: {  	v5 =	vld [tilespmem:s25+$0x300];
	_ =	sdelay $0x1  }
0x37: {  	(v2sf) =	vpush v2, $0x0;
	v2 =	vld [tilespmem:s25+$0x400]  }
0x38: {  	(v2sf) =	vpush v3, $0x0  }
0x39: {  	v3 =	vld [tilespmem:s25+$0x500];
	(v2sf) =	vpush v4, $0x0  }
0x3a: {  	(v2sf) =	vpush v5, $0x0;
	_ =	sdelay $0x1  }
0x3b: {  	(v2sf) =	vpush v2, $0x0;
	_ =	sdelay $0x1  }
0x3c: {  	(v2sf) =	vpush v3, $0x0;
	_ =	sdelay $0x7  }
0x3d: {  	s26 =	spop (v2sf)  }
0x3e: {  	s28 =	spop (v2sf)  }
0x3f: {  	s21 =	spop (v2sf)  }
0x40: {  	s22 =	spop (v2sf)  }
0x41: {  	s22 =	smul.f32 $5.000000000e-01, s22  }
0x42: {  	s23 =	spop (v2sf)  }
0x43: {  	s24 =	ssub.f32 s26, s22;
	s23 =	smul.f32 $5.000000000e-01, s23  }
0x44: {  	s25 =	spop (v2sf);
	s19 =	sadd.f32 s22, s26  }
0x45: {  	s25 =	smul.f32 $5.000000000e-01, s25;
	s29 =	ssub.f32 s28, s23  }
.Ltmp4:
0x46: {  	v8 =	vimm.s32 $0x3FF03FF;
	v9 =	vimm.s32 $0x3FF03FF;
	s20 =	sadd.f32 s23, s28;
	(pc) =	sbr.rel .LBB2_3-.Ltmp4, $4  }
0x47: {  	v10 =	vimm.s32 $0x3FF03FF;
	v11 =	vimm.s32 $0x3FF03FF;
	v12 =	vimm.s32 $0x3FF03FF;
	s30 =	ssub.f32 s21, s25  }
0x48: {  	v13 =	vimm.s32 $0x3FF03FF;
	v14 =	vimm.s32 $0x3FF03FF;
	v15 =	vimm.s32 $0x3FF03FF;
	s31 =	sadd.f32 s25, s21  }
0x49: {  	v2 =	vmov s24;
	v3 =	vmov s19;
	v4 =	vmov s29  }
0x4a: {  	s19 =	simm.s32 $0x0;
	v5 =	vmov s20;
	s20 =	simm.s32 $0x0;
	v6 =	vmov s30;
	v7 =	vmov s31  }
.LBB2_42:
0x4b: {  	v18 =	vmovc v13;
	vm1 =	vmmov vm0;
	v21 =	vmov v12;
	v23 =	vmov v11  }
0x4c: {  	v24 =	vmovc v10;
	v27 =	vmovc v9;
	v31 =	vmov v8;
	v28 =	vmov v15;
	v30 =	vmov v14  }
.LBB2_70:
0x4d: {  	vm2 =	vne.s32 @p2 v19, v0;
	s0 =	sshra.s32 @p4 s28, $0x2;
	v19 =	vld @p5 [tilespmem:s26+$0x1670]  }
0x4e: {  	vm1 =	vmand @p2 vm1, vm2;
	v32 =	vld @p4 [tilespmem:s0+$0x1600];
	vm2 =	vmmov vm0  }
0x4f: {  	s26 =	spop @p3 (v2sf);
	v33 =	vld @p4 [tilespmem:s0+$0x1610];
	vm2 =	vmmov @p2 vm1  }
0x50: {  	v34 =	vld @p4 [tilespmem:s0+$0x1620];
	s26 =	sadd.s32 @p3 s26, s25;
	v35 =	vmctz.xlane @p1 vm2  }
0x51: {  	v36 =	vld @p4 [tilespmem:s0+$0x1630];
	s26 =	sshll.u32 @p3 s26, $0x9  }
0x52: {  	v37 =	vld @p4 [tilespmem:s0+$0x1640];
	s29 =	smov.u32 @p3 s26;
	v38 =	vbroadcast @p1 v35, $0x0;
	(v2sf) =	vpush @p1 v35, $0x0  }
0x53: {  	s26 =	sshra.s32 @p3 s29, $0x2;
	v35 =	vld @p4 [tilespmem:s0+$0x1650]  }
0x54: {  	v20 =	vmax.u16 @p5 v21, v20;
	v21 =	vmax.u16 @p5 v23, v22;
	v22 =	vld @p3 [tilespmem:s26+$0x1600];
	v26 =	vpsel p1, v38, v26  }
0x55: {  	v17 =	vmax.u16 @p5 v18, v17;
	v23 =	vmax.u16 @p5 v24, v25;
	v25 =	vld @p3 [tilespmem:s26+$0x1610];
	vm1 =	vne.s32 @p1 v26, v0  }
0x56: {  	v24 =	vmax.u16 @p5 v27, v29;
	v27 =	vld @p3 [tilespmem:s26+$0x1620];
	vm2 =	vmand @p1 vm2, vm1;
	vm1 =	vmmov vm0  }
0x57: {  	v17 =	vpsel p5, v17, v13;
	v38 =	vld @p4 [tilespmem:s0+$0x1660];
	s0 =	smov.u32 @p4 s0;
	vm1 =	vmmov @p1 vm2  }
0x58: {  	v20 =	vpsel p5, v20, v12;
	v18 =	vld @p4 [tilespmem:s0+$0x1670];
	v26 =	vmax.u16 @p4 v28, v32;
	s0 =	spop @p2 (v2sf);
	v28 =	vmctz.xlane @p0 vm1  }
0x59: {  	v21 =	vpsel p5, v21, v11;
	v23 =	vpsel p5, v23, v10;
	v19 =	vmax.u16 @p5 v31, v19;
	v31 =	vld @p3 [tilespmem:s26+$0x1630];
	s0 =	sadd.s32 @p2 s0, s25  }
0x5a: {  	v29 =	vmax.u16 @p4 v30, v33;
	v30 =	vpsel p4, v34, v0;
	v33 =	vld @p3 [tilespmem:s26+$0x1640];
	s0 =	sshll.u32 @p2 s0, $0x9;
	(v2sf) =	vpush @p0 v28, $0x0  }
0x5b: {  	v17 =	vmax.u16 @p4 v17, v30;
	v30 =	vld @p3 [tilespmem:s26+$0x1650];
	v32 =	vpsel p4, v36, v0;
	s0 =	smov.u32 @p2 s0;
	v28 =	vbroadcast @p0 v28, $0x0  }
0x5c: {  	v24 =	vpsel p5, v24, v9;
	v34 =	vpsel p4, v37, v0;
	v20 =	vmax.u16 @p4 v20, v32;
	v32 =	vld @p3 [tilespmem:s26+$0x1660];
	s0 =	sshra.s32 @p2 s0, $0x2  }
0x5d: {  	v21 =	vmax.u16 @p4 v21, v34;
	v35 =	vpsel p4, v35, v0;
	v34 =	vld @p2 [tilespmem:s0+$0x1610];
	v16 =	vpsel p0, v28, v16  }
0x5e: {  	v23 =	vmax.u16 @p4 v23, v35;
	v36 =	vpsel p4, v38, v0;
	v35 =	vld @p2 [tilespmem:s0+$0x1620];
	vm2 =	vne.s32 @p0 v16, v0  }
0x5f: {  	v26 =	vpsel p4, v26, v15;
	v24 =	vmax.u16 @p4 v24, v36;
	v36 =	vld @p2 [tilespmem:s0+$0x1630];
	vm1 =	vmand @p0 vm1, vm2  }
0x60: {  	v19 =	vpsel p5, v19, v8;
	s26 =	smov.u32 @p3 s26;
	v22 =	vmax.u16 @p3 v26, v22;
	v26 =	vld @p2 [tilespmem:s0+$0x1640];
	vm0 =	vmmov @p0 vm1  }
0x61: {  	v29 =	vpsel p4, v29, v14;
	v17 =	vpsel p4, v17, v13;
	v28 =	vld @p3 [tilespmem:s26+$0x1670];
	v56 =	vmctz.xlane vm0;
	s26 =	spop @p1 (v2sf)  }
0x62: {  	v21 =	vpsel p4, v21, v11;
	v27 =	vpsel p3, v27, v0;
	v18 =	vmax.u16 @p4 v19, v18;
	v19 =	vld @p2 [tilespmem:s0+$0x1650];
	s26 =	sadd.s32 @p1 s26, s25  }
0x63: {  	v25 =	vmax.u16 @p3 v29, v25;
	v17 =	vmax.u16 @p3 v17, v27;
	v27 =	vld @p2 [tilespmem:s0+$0x1660];
	(v2sf) =	vpush v56, $0x0;
	s26 =	sshll.u32 @p1 s26, $0x9  }
0x64: {  	v20 =	vpsel p4, v20, v12;
	v29 =	vpsel p3, v31, v0;
	v31 =	vpsel p3, v33, v0;
	v16 =	vld @p2 [tilespmem:s0+$0x1600];
	s0 =	smov.u32 @p2 s0;
	s26 =	smov.u32 @p1 s26  }
0x65: {  	v20 =	vmax.u16 @p3 v20, v29;
	v22 =	vpsel p3, v22, v15;
	v25 =	vpsel p3, v25, v14;
	v29 =	vld @p2 [tilespmem:s0+$0x1670];
	s26 =	sshra.s32 @p1 s26, $0x2  }
0x66: {  	v23 =	vpsel p4, v23, v10;
	v30 =	vpsel p3, v30, v0;
	v21 =	vmax.u16 @p3 v21, v31;
	v31 =	vld @p1 [tilespmem:s26+$0x1600]  }
0x67: {  	v23 =	vmax.u16 @p3 v23, v30;
	v24 =	vpsel p4, v24, v9;
	v32 =	vpsel p3, v32, v0;
	v30 =	vld @p1 [tilespmem:s26+$0x1610]  }
0x68: {  	v17 =	vpsel p3, v17, v13;
	v20 =	vpsel p3, v20, v12;
	v24 =	vmax.u16 @p3 v24, v32;
	v32 =	vld @p1 [tilespmem:s26+$0x1620]  }
0x69: {  	v18 =	vpsel p4, v18, v8;
	v16 =	vmax.u16 @p2 v22, v16;
	v22 =	vmax.u16 @p2 v25, v34;
	v25 =	vld @p1 [tilespmem:s26+$0x1630];
	s0 =	spop @p0 (v2sf)  }
0x6a: {  	v21 =	vpsel p3, v21, v11;
	v18 =	vmax.u16 @p3 v18, v28;
	v28 =	vpsel p2, v35, v0;
	v33 =	vld @p1 [tilespmem:s26+$0x1640];
	s0 =	sadd.s32 @p0 s0, s25  }
0x6b: {  	v23 =	vpsel p3, v23, v10;
	v34 =	vpsel p2, v36, v0;
	v17 =	vmax.u16 @p2 v17, v28;
	v28 =	vld @p1 [tilespmem:s26+$0x1650];
	s0 =	sshll.u32 @p0 s0, $0x9  }
0x6c: {  	v24 =	vpsel p3, v24, v9;
	v26 =	vpsel p2, v26, v0;
	v20 =	vmax.u16 @p2 v20, v34;
	v34 =	vld @p1 [tilespmem:s26+$0x1660];
	s26 =	smov.u32 @p1 s26;
	s0 =	smov.u32 @p0 s0  }
0x6d: {  	v19 =	vpsel p2, v19, v0;
	v27 =	vpsel p2, v27, v0;
	v21 =	vmax.u16 @p2 v21, v26;
	v26 =	vld @p1 [tilespmem:s26+$0x1670];
	s0 =	sshra.s32 @p0 s0, $0x2  }
0x6e: {  	v19 =	vmax.u16 @p2 v23, v19;
	v24 =	vmax.u16 @p2 v24, v27;
	v23 =	vld @p0 [tilespmem:s0+$0x1600]  }
0x6f: {  	v21 =	vpsel p2, v21, v11;
	v18 =	vpsel p3, v18, v8;
	v16 =	vpsel p2, v16, v15;
	v27 =	vld @p0 [tilespmem:s0+$0x1610]  }
0x70: {  	v22 =	vpsel p2, v22, v14;
	v18 =	vmax.u16 @p2 v18, v29;
	v17 =	vpsel p2, v17, v13;
	v29 =	vld @p0 [tilespmem:s0+$0x1620]  }
0x71: {  	v16 =	vmax.u16 @p1 v16, v31;
	v22 =	vmax.u16 @p1 v22, v30;
	v30 =	vpsel p1, v32, v0;
	v31 =	vld @p0 [tilespmem:s0+$0x1630]  }
0x72: {  	v20 =	vpsel p2, v20, v12;
	v25 =	vpsel p1, v25, v0;
	v17 =	vmax.u16 @p1 v17, v30;
	v30 =	vld @p0 [tilespmem:s0+$0x1640];
	s30 =	spop (v2sf)  }
0x73: {  	v19 =	vpsel p2, v19, v10;
	v32 =	vpsel p1, v33, v0;
	v20 =	vmax.u16 @p1 v20, v25;
	v25 =	vld @p0 [tilespmem:s0+$0x1650];
	s31 =	sadd.s32 s30, s25  }
0x74: {  	v24 =	vpsel p2, v24, v9;
	v28 =	vpsel p1, v28, v0;
	v21 =	vmax.u16 @p1 v21, v32;
	v32 =	vld @p0 [tilespmem:s0+$0x1660];
	s0 =	smov.u32 @p0 s0;
	s25 =	sshll.u32 s31, $0x9  }
0x75: {  	v18 =	vpsel p2, v18, v8;
	v33 =	vpsel p1, v34, v0;
	v19 =	vmax.u16 @p1 v19, v28;
	v28 =	vld @p0 [tilespmem:s0+$0x1670];
	s25 =	sshra.s32 s25, $0x2  }
0x76: {  	v16 =	vpsel p1, v16, v15;
	v22 =	vpsel p1, v22, v14;
	v24 =	vmax.u16 @p1 v24, v33;
	v57 =	vld [tilespmem:s25+$0x1600]  }
0x77: {  	v18 =	vmax.u16 @p1 v18, v26;
	v17 =	vpsel p1, v17, v13;
	v20 =	vpsel p1, v20, v12;
	v58 =	vld [tilespmem:s25+$0x1610]  }
0x78: {  	v21 =	vpsel p1, v21, v11;
	v19 =	vpsel p1, v19, v10;
	v16 =	vmax.u16 @p0 v16, v23;
	v59 =	vld [tilespmem:s25+$0x1620]  }
0x79: {  	v24 =	vpsel p1, v24, v9;
	v18 =	vpsel p1, v18, v8;
	v15 =	vpsel p0, v16, v15;
	v16 =	vld [tilespmem:s25+$0x1630]  }
0x7a: {  	v22 =	vmax.u16 @p0 v22, v27;
	v26 =	vpsel p0, v29, v0;
	v29 =	vpsel p0, v31, v0;
	v60 =	vld [tilespmem:s25+$0x1640]  }
0x7b: {  	v30 =	vpsel p0, v30, v0;
	v25 =	vpsel p0, v25, v0;
	v31 =	vpsel p0, v32, v0;
	v61 =	vld [tilespmem:s25+$0x1650]  }
0x7c: {  	v14 =	vpsel p0, v22, v14;
	v17 =	vmax.u16 @p0 v17, v26;
	v20 =	vmax.u16 @p0 v20, v29;
	v62 =	vld [tilespmem:s25+$0x1660]  }
0x7d: {  	v21 =	vmax.u16 @p0 v21, v30;
	v19 =	vmax.u16 @p0 v19, v25;
	v24 =	vmax.u16 @p0 v24, v31;
	v63 =	vld [tilespmem:s25+$0x1670]  }
0x7e: {  	v18 =	vmax.u16 @p0 v18, v28;
	v13 =	vpsel p0, v17, v13;
	v12 =	vpsel p0, v20, v12  }
0x7f: {  	v11 =	vpsel p0, v21, v11;
	v10 =	vpsel p0, v19, v10;
	v9 =	vpsel p0, v24, v9  }
0x80: {  	v8 =	vpsel p0, v18, v8;
	v15 =	vmax.u16 v15, v57;
	v14 =	vmax.u16 v14, v58  }
0x81: {  	v13 =	vmax.u16 v13, v59;
	v12 =	vmax.u16 v12, v16;
	v11 =	vmax.u16 v11, v60  }
0x82: {  	v10 =	vmax.u16 v10, v61;
	v9 =	vmax.u16 v9, v62;
	v8 =	vmax.u16 v8, v63  }
.LBB2_71:
0x83: {  	s20 =	sadd.s32 $0x1, s20  }
0x84: {  	p0 =	sne.s32 s20, $0x4  }
.Ltmp5:
0x85: {  	_ = 	snop;
	(pc) =	sbr.rel @!p0 .LBB2_72-.Ltmp5, $4  }
0x86: {  	s0 =	sadd.s32 s19, s23  }
0x87: {  	s0 =	sadd.s32 s24, s0  }
0x88: {  	s0 =	sadd.s32 s21, s0  }
0x89: {  	s19 =	sadd.s32 s22, s0  }
.LBB2_3:
0x8a: {  	_ =	sdelay $0x2  }
0x8b: {  	s25 =	sshll.u32 s20, $0x6  }
0x8c: {  	v16 =	vld.idx.msk [tilespmem:v1+s25+$0x0 ss:$0x1], $0xffff  }
0x8d: {  	v17 =	vld.idx.msk [tilespmem:v1+s25+$0x400 ss:$0x1], $0xffff  }
0x8e: {  	v19 =	vld.idx.msk [tilespmem:v1+s25+$0x10 ss:$0x1], $0xffff  }
0x8f: {  	v18 =	vld.idx.msk [tilespmem:v1+s25+$0x800 ss:$0x1], $0xffff  }
0x90: {  	v20 =	vld.idx.msk [tilespmem:v1+s25+$0x20 ss:$0x1], $0xffff  }
0x91: {  	vm0 =	vge.f32 v16, v2;
	vm1 =	vge.f32 v3, v16;
	v16 =	vld.idx.msk [tilespmem:v1+s25+$0x410 ss:$0x1], $0xffff;
	_ =	sdelay $0x1  }
0x92: {  	v60 =	vld.idx.msk [tilespmem:v1+s25+$0x420 ss:$0x1], $0xffff;
	vm2 =	vge.f32 v19, v2;
	vm0 =	vmand vm0, vm1;
	vm1 =	vge.f32 v17, v4  }
0x93: {  	vm3 =	vge.f32 v3, v19;
	vm0 =	vmand vm0, vm1;
	vm1 =	vge.f32 v5, v17;
	v17 =	vld.idx.msk [tilespmem:v1+s25+$0x810 ss:$0x1], $0xffff  }
0x94: {  	vm4 =	vge.f32 v3, v20;
	vm0 =	vmand vm1, vm0;
	vm1 =	vge.f32 v18, v6  }
0x95: {  	v61 =	vld.idx.msk [tilespmem:v1+s25+$0x30 ss:$0x1], $0xffff;
	vm0 =	vmand vm1, vm0;
	vm1 =	vmand vm2, vm3;
	vm2 =	vge.f32 v16, v4  }
0x96: {  	vm3 =	vge.f32 v7, v18;
	vm1 =	vmand vm1, vm2;
	vm2 =	vge.f32 v5, v16;
	v16 =	vld.idx.msk [tilespmem:v1+s25+$0x820 ss:$0x1], $0xffff  }
0x97: {  	vm3 =	vmand vm3, vm0;
	vm0 =	vmand vm2, vm1;
	vm2 =	vge.f32 v20, v2  }
0x98: {  	v62 =	vld.idx.msk [tilespmem:v1+s25+$0x430 ss:$0x1], $0xffff;
	vm1 =	vge.f32 v17, v6;
	vm2 =	vmand vm2, vm4;
	vm4 =	vge.f32 v60, v4  }
0x99: {  	vm5 =	vge.f32 v7, v17;
	vm0 =	vmand vm1, vm0;
	vm1 =	vmand vm2, vm4  }
0x9a: {  	v17 =	vld.idx.msk [tilespmem:v1+s25+$0x830 ss:$0x1], $0xffff;
	vm4 =	vge.f32 v5, v60;
	vm2 =	vmand vm5, vm0;
	vm5 =	vge.f32 v3, v61  }
0x9b: {  	vm0 =	vmand vm4, vm1;
	vm4 =	vge.f32 v61, v2;
	vm1 =	vge.f32 v16, v6  }
0x9c: {  	vm0 =	vmand vm1, vm0;
	vm1 =	vge.f32 v7, v16;
	v16 =	vmpcnt.ones.xlane vm3  }
0x9d: {  	vm4 =	vmand vm4, vm5;
	vm5 =	vge.f32 v62, v4;
	vm1 =	vmand vm1, vm0  }
0x9e: {  	vm0 =	vmand vm4, vm5;
	vm4 =	vge.f32 v5, v62;
	(v2sf) =	vpush v16, $0x0  }
0x9f: {  	vm0 =	vmand vm4, vm0;
	vm4 =	vge.f32 v17, v6  }
0xa0: {  	v63 =	vmpcnt.ones.xlane vm2;
	vm0 =	vmand vm4, vm0;
	vm4 =	vge.f32 v7, v17  }
0xa1: {  	v16 =	vmpcnt.ones.xlane vm1;
	vm0 =	vmand vm4, vm0  }
0xa2: {  	(v2sf) =	vpush v63, $0x0;
	v17 =	vmpcnt.ones.xlane vm0  }
0xa3: {  	(v2sf) =	vpush v16, $0x0  }
0xa4: {  	(v2sf) =	vpush v17, $0x0;
	_ =	sdelay $0x8  }
0xa5: {  	s23 =	spop (v2sf)  }
0xa6: {  	p0 =	sgt.s32 s23, $0x0  }
.Ltmp6:
0xa7: {  	_ = 	snop;
	(pc) =	sbr.rel @!p0 .LBB2_4-.Ltmp6, $4  }
0xa8: {  	_ = 	snop  }
0xa9: {  	s24 =	spop (v2sf)  }
0xaa: {  	s21 =	spop (v2sf)  }
0xab: {  	s22 =	spop (v2sf)  }
0xac: {  	p6 =	seq.s32 s23, $0x1  }
.Ltmp7:
0xad: {  	_ = 	snop;
	(pc) =	sbr.rel @p6 .LBB2_8-.Ltmp7, $4  }
0xae: {  	_ = 	snop  }
0xaf: {  	s26 =	sadd.s32 $0xFFFFFFFF, s23  }
0xb0: {  	p0 =	por $0x0, $0x0;
	p1 =	por $0x0, $0x0;
	p2 =	por $0x0, $0x0  }
0xb1: {  	p3 =	por $0x0, $0x0;
	p4 =	por $0x0, $0x0;
	p5 =	por $0x0, $0x0  }
0xb2: {  	p6 =	seq.s32 s26, $0x1  }
.Ltmp8:
0xb3: {  	_ = 	snop;
	(pc) =	sbr.rel @p6 .LBB2_10-.Ltmp8, $2  }
0xb4: {  	_ =	sdelay $0x2  }
0xb5: {  	s26 =	sadd.s32 $0xFFFFFFFF, s26;
	p0 =	por $0x1, $0x1  }
0xb6: {  	p6 =	seq.s32 s26, $0x1  }
.Ltmp9:
0xb7: {  	_ = 	snop;
	(pc) =	sbr.rel @p6 .LBB2_12-.Ltmp9, $2  }
0xb8: {  	_ =	sdelay $0x2  }
0xb9: {  	s26 =	sadd.s32 $0xFFFFFFFF, s26;
	p1 =	por $0x1, $0x1  }
0xba: {  	p6 =	seq.s32 s26, $0x1  }
.Ltmp10:
0xbb: {  	_ = 	snop;
	(pc) =	sbr.rel @p6 .LBB2_14-.Ltmp10, $3  }
0xbc: {  	_ = 	snop  }
0xbd: {  	v16 =	vmctz.xlane vm3;
	_ =	sdelay $0x1  }
0xbe: {  	s26 =	sadd.s32 $0xFFFFFFFF, s26;
	p2 =	por $0x1, $0x1;
	v19 =	vbroadcast v16, $0x0;
	(v2sf) =	vpush v16, $0x0  }
0xbf: {  	p6 =	seq.s32 s26, $0x1  }
.Ltmp11:
0xc0: {  	vm4 =	vne.s32 v19, v0;
	(pc) =	sbr.rel @p6 .LBB2_16-.Ltmp11, $3  }
0xc1: {  	vm4 =	vmand vm3, vm4  }
0xc2: {  	v17 =	vmctz.xlane vm4;
	_ =	sdelay $0x1  }
0xc3: {  	s26 =	sadd.s32 $0xFFFFFFFF, s26;
	p3 =	por $0x1, $0x1;
	v16 =	vbroadcast v17, $0x0;
	(v2sf) =	vpush v17, $0x0  }
0xc4: {  	_ =	sdelay $0x3  }
0xc5: {  	vm5 =	vne.s32 v16, v0  }
0xc6: {  	vm4 =	vmand vm4, vm5  }
0xc7: {  	v17 =	vmctz.xlane vm4;
	_ =	sdelay $0x1  }
0xc8: {  	s28 =	spop (v2sf);
	(v2sf) =	vpush v17, $0x0;
	_ =	sdelay $0x3  }
0xc9: {  	p6 =	seq.s32 s26, $0x1  }
.Ltmp12:
0xca: {  	_ = 	snop;
	(pc) =	sbr.rel @p6 .LBB2_18-.Ltmp12, $3  }
0xcb: {  	_ =	sdelay $0x1  }
0xcc: {  	s29 =	sadd.s32 s25, s28  }
0xcd: {  	p4 =	por $0x1, $0x1;
	v26 =	vbroadcast v17, $0x0;
	s28 =	sadd.s32 $0xFFFFFFFF, s26;
	s29 =	sshll.u32 s29, $0x9  }
0xce: {  	_ = 	snop  }
0xcf: {  	vm5 =	vne.s32 v26, v0  }
0xd0: {  	vm4 =	vmand vm4, vm5  }
0xd1: {  	v23 =	vmctz.xlane vm4;
	_ =	sdelay $0x1  }
0xd2: {  	s26 =	sshra.s32 s29, $0x2;
	(v2sf) =	vpush v23, $0x0  }
0xd3: {  	v18 =	vld [tilespmem:s26+$0x1600]  }
0xd4: {  	p6 =	seq.s32 s28, $0x1;
	v21 =	vld [tilespmem:s26+$0x1610]  }
.Ltmp13:
0xd5: {  	v17 =	vld [tilespmem:s26+$0x1620];
	(pc) =	sbr.rel @p6 .LBB2_20-.Ltmp13, $4  }
0xd6: {  	v20 =	vld [tilespmem:s26+$0x1630]  }
0xd7: {  	s30 =	spop (v2sf);
	v22 =	vld [tilespmem:s26+$0x1640]  }
0xd8: {  	v24 =	vmovc v10;
	v27 =	vmov v9;
	v31 =	vmov v8;
	s31 =	sadd.s32 s25, s30;
	v25 =	vld [tilespmem:s26+$0x1650];
	v19 =	vbroadcast v23, $0x0  }
0xd9: {  	p5 =	por $0x1, $0x1;
	s30 =	sadd.s32 $0xFFFFFFFF, s28;
	v29 =	vld [tilespmem:s26+$0x1660];
	s28 =	sshll.u32 s31, $0x9;
	v28 =	vmax.u16 v15, v18;
	v30 =	vmax.u16 v14, v21;
	v18 =	vmovc v13;
	v21 =	vmovc v12;
	v23 =	vmov v11  }
.LBB2_21:
0xda: {  	p6 =	seq.s32 s30, $0x1;
	vm5 =	vne.s32 v19, v0;
	v18 =	vmax.u16 v18, v17;
	v19 =	vld [tilespmem:s26+$0x1670];
	s26 =	sshra.s32 s28, $0x2  }
0xdb: {  	vm4 =	vmand vm4, vm5;
	v32 =	vld [tilespmem:s26+$0x1600];
	v21 =	vmax.u16 v21, v20  }
0xdc: {  	v33 =	vld [tilespmem:s26+$0x1610];
	v23 =	vmax.u16 v23, v22  }
.Ltmp14:
0xdd: {  	v17 =	vld [tilespmem:s26+$0x1620];
	v24 =	vmax.u16 v24, v25;
	(pc) =	sbr.rel @!p6 .LBB2_21-.Ltmp14, $4  }
0xde: {  	v25 =	vmctz.xlane vm4;
	v20 =	vld [tilespmem:s26+$0x1630];
	v27 =	vmax.u16 v27, v29  }
0xdf: {  	s28 =	spop (v2sf);
	v22 =	vld [tilespmem:s26+$0x1640];
	v31 =	vmax.u16 v31, v19  }
0xe0: {  	v19 =	vbroadcast v25, $0x0;
	(v2sf) =	vpush v25, $0x0;
	s28 =	sadd.s32 s25, s28;
	v28 =	vmax.u16 v28, v32;
	v25 =	vld [tilespmem:s26+$0x1650]  }
0xe1: {  	s30 =	sadd.s32 $0xFFFFFFFF, s30;
	s28 =	sshll.u32 s28, $0x9;
	v30 =	vmax.u16 v30, v33;
	v29 =	vld [tilespmem:s26+$0x1660]  }
.LBB2_22:
0xe2: {  	_ = 	snop  }
0xe3: {  	vm5 =	vne.s32 @p2 v19, v0;
	s28 =	sshra.s32 @p4 s28, $0x2;
	v19 =	vld @p5 [tilespmem:s26+$0x1670]  }
0xe4: {  	vm4 =	vmand @p2 vm4, vm5;
	v32 =	vld @p4 [tilespmem:s28+$0x1600];
	vm5 =	vmmov vm3  }
0xe5: {  	s26 =	spop @p3 (v2sf);
	v33 =	vld @p4 [tilespmem:s28+$0x1610];
	vm5 =	vmmov @p2 vm4  }
0xe6: {  	v34 =	vld @p4 [tilespmem:s28+$0x1620];
	s26 =	sadd.s32 @p3 s25, s26;
	v35 =	vmctz.xlane @p1 vm5  }
0xe7: {  	v36 =	vld @p4 [tilespmem:s28+$0x1630];
	s26 =	sshll.u32 @p3 s26, $0x9  }
0xe8: {  	v37 =	vld @p4 [tilespmem:s28+$0x1640];
	s29 =	smov.u32 @p3 s26;
	s26 =	smov.u32 @p4 s28;
	v38 =	vbroadcast @p1 v35, $0x0;
	(v2sf) =	vpush @p1 v35, $0x0  }
0xe9: {  	v17 =	vmax.u16 @p5 v18, v17;
	v18 =	vld @p4 [tilespmem:s26+$0x1670]  }
0xea: {  	v35 =	vld @p4 [tilespmem:s28+$0x1650];
	v26 =	vpsel p1, v38, v26  }
0xeb: {  	v20 =	vmax.u16 @p5 v21, v20;
	v38 =	vld @p4 [tilespmem:s28+$0x1660];
	s28 =	sshra.s32 @p3 s29, $0x2;
	vm4 =	vne.s32 @p1 v26, v0  }
0xec: {  	v21 =	vmax.u16 @p5 v23, v22;
	v22 =	vld @p3 [tilespmem:s28+$0x1600];
	vm5 =	vmand @p1 vm5, vm4;
	vm4 =	vmmov vm3  }
0xed: {  	v17 =	vpsel p5, v17, v13;
	v23 =	vmax.u16 @p5 v24, v25;
	v25 =	vld @p3 [tilespmem:s28+$0x1610];
	vm4 =	vmmov @p1 vm5  }
0xee: {  	v24 =	vmax.u16 @p5 v27, v29;
	v26 =	vmax.u16 @p4 v28, v32;
	v27 =	vld @p3 [tilespmem:s28+$0x1620];
	v28 =	vmctz.xlane @p0 vm4  }
0xef: {  	v20 =	vpsel p5, v20, v12;
	v21 =	vpsel p5, v21, v11;
	v19 =	vmax.u16 @p5 v31, v19;
	v31 =	vld @p3 [tilespmem:s28+$0x1630];
	s26 =	spop @p2 (v2sf)  }
0xf0: {  	v29 =	vmax.u16 @p4 v30, v33;
	v30 =	vpsel p4, v34, v0;
	v33 =	vld @p3 [tilespmem:s28+$0x1640];
	(v2sf) =	vpush @p0 v28, $0x0;
	s26 =	sadd.s32 @p2 s25, s26  }
0xf1: {  	v17 =	vmax.u16 @p4 v17, v30;
	v32 =	vpsel p4, v36, v0;
	v30 =	vld @p3 [tilespmem:s28+$0x1650];
	v28 =	vbroadcast @p0 v28, $0x0;
	s26 =	sshll.u32 @p2 s26, $0x9  }
0xf2: {  	v23 =	vpsel p5, v23, v10;
	v24 =	vpsel p5, v24, v9;
	v20 =	vmax.u16 @p4 v20, v32;
	v32 =	vld @p3 [tilespmem:s28+$0x1660];
	s28 =	smov.u32 @p3 s28;
	s26 =	smov.u32 @p2 s26  }
0xf3: {  	v34 =	vpsel p4, v37, v0;
	v19 =	vpsel p5, v19, v8;
	v16 =	vpsel p0, v28, v16;
	v28 =	vld @p3 [tilespmem:s28+$0x1670];
	s26 =	sshra.s32 @p2 s26, $0x2  }
0xf4: {  	v21 =	vmax.u16 @p4 v21, v34;
	v29 =	vpsel p4, v29, v14;
	vm5 =	vne.s32 @p0 v16, v0;
	v16 =	vld @p2 [tilespmem:s26+$0x1600]  }
0xf5: {  	v17 =	vpsel p4, v17, v13;
	v35 =	vpsel p4, v35, v0;
	vm4 =	vmand @p0 vm4, vm5;
	v34 =	vld @p2 [tilespmem:s26+$0x1610]  }
0xf6: {  	v23 =	vmax.u16 @p4 v23, v35;
	v36 =	vpsel p4, v38, v0;
	vm3 =	vmmov @p0 vm4;
	v35 =	vld @p2 [tilespmem:s26+$0x1620]  }
0xf7: {  	v26 =	vpsel p4, v26, v15;
	v24 =	vmax.u16 @p4 v24, v36;
	v36 =	vld @p2 [tilespmem:s26+$0x1630];
	v56 =	vmctz.xlane vm3;
	s28 =	spop @p1 (v2sf)  }
0xf8: {  	v21 =	vpsel p4, v21, v11;
	v18 =	vmax.u16 @p4 v19, v18;
	v22 =	vmax.u16 @p3 v26, v22;
	v26 =	vld @p2 [tilespmem:s26+$0x1640];
	s28 =	sadd.s32 @p1 s25, s28  }
0xf9: {  	v20 =	vpsel p4, v20, v12;
	v27 =	vpsel p3, v27, v0;
	v19 =	vld @p2 [tilespmem:s26+$0x1650];
	(v2sf) =	vpush v56, $0x0;
	s28 =	sshll.u32 @p1 s28, $0x9  }
0xfa: {  	v25 =	vmax.u16 @p3 v29, v25;
	v29 =	vpsel p3, v31, v0;
	v17 =	vmax.u16 @p3 v17, v27;
	v27 =	vld @p2 [tilespmem:s26+$0x1660];
	s26 =	smov.u32 @p2 s26;
	s28 =	smov.u32 @p1 s28  }
0xfb: {  	v18 =	vpsel p4, v18, v8;
	v31 =	vpsel p3, v33, v0;
	v20 =	vmax.u16 @p3 v20, v29;
	v29 =	vld @p2 [tilespmem:s26+$0x1670];
	s28 =	sshra.s32 @p1 s28, $0x2  }
0xfc: {  	v23 =	vpsel p4, v23, v10;
	v30 =	vpsel p3, v30, v0;
	v21 =	vmax.u16 @p3 v21, v31;
	v31 =	vld @p1 [tilespmem:s28+$0x1600]  }
0xfd: {  	v24 =	vpsel p4, v24, v9;
	v32 =	vpsel p3, v32, v0;
	v23 =	vmax.u16 @p3 v23, v30;
	v30 =	vld @p1 [tilespmem:s28+$0x1610]  }
0xfe: {  	v22 =	vpsel p3, v22, v15;
	v25 =	vpsel p3, v25, v14;
	v24 =	vmax.u16 @p3 v24, v32;
	v32 =	vld @p1 [tilespmem:s28+$0x1620]  }
0xff: {  	v17 =	vpsel p3, v17, v13;
	v16 =	vmax.u16 @p2 v22, v16;
	v22 =	vmax.u16 @p2 v25, v34;
	v25 =	vld @p1 [tilespmem:s28+$0x1630];
	s26 =	spop @p0 (v2sf)  }
0x100: {  	v20 =	vpsel p3, v20, v12;
	v18 =	vmax.u16 @p3 v18, v28;
	v28 =	vpsel p2, v35, v0;
	v33 =	vld @p1 [tilespmem:s28+$0x1640];
	s26 =	sadd.s32 @p0 s25, s26  }
0x101: {  	v21 =	vpsel p3, v21, v11;
	v34 =	vpsel p2, v36, v0;
	v17 =	vmax.u16 @p2 v17, v28;
	v28 =	vld @p1 [tilespmem:s28+$0x1650];
	s26 =	sshll.u32 @p0 s26, $0x9  }
0x102: {  	v23 =	vpsel p3, v23, v10;
	v26 =	vpsel p2, v26, v0;
	v20 =	vmax.u16 @p2 v20, v34;
	v34 =	vld @p1 [tilespmem:s28+$0x1660];
	s28 =	smov.u32 @p1 s28;
	s26 =	smov.u32 @p0 s26  }
0x103: {  	v24 =	vpsel p3, v24, v9;
	v19 =	vpsel p2, v19, v0;
	v21 =	vmax.u16 @p2 v21, v26;
	v26 =	vld @p1 [tilespmem:s28+$0x1670];
	s26 =	sshra.s32 @p0 s26, $0x2  }
0x104: {  	v18 =	vpsel p3, v18, v8;
	v27 =	vpsel p2, v27, v0;
	v19 =	vmax.u16 @p2 v23, v19;
	v23 =	vld @p0 [tilespmem:s26+$0x1600]  }
0x105: {  	v16 =	vpsel p2, v16, v15;
	v22 =	vpsel p2, v22, v14;
	v24 =	vmax.u16 @p2 v24, v27;
	v27 =	vld @p0 [tilespmem:s26+$0x1610]  }
0x106: {  	v18 =	vmax.u16 @p2 v18, v29;
	v17 =	vpsel p2, v17, v13;
	v20 =	vpsel p2, v20, v12;
	v29 =	vld @p0 [tilespmem:s26+$0x1620]  }
0x107: {  	v16 =	vmax.u16 @p1 v16, v31;
	v22 =	vmax.u16 @p1 v22, v30;
	v30 =	vpsel p1, v32, v0;
	v31 =	vld @p0 [tilespmem:s26+$0x1630]  }
0x108: {  	v21 =	vpsel p2, v21, v11;
	v25 =	vpsel p1, v25, v0;
	v17 =	vmax.u16 @p1 v17, v30;
	v30 =	vld @p0 [tilespmem:s26+$0x1640];
	s31 =	spop (v2sf)  }
0x109: {  	v19 =	vpsel p2, v19, v10;
	v32 =	vpsel p1, v33, v0;
	v20 =	vmax.u16 @p1 v20, v25;
	v25 =	vld @p0 [tilespmem:s26+$0x1650];
	s28 =	sadd.s32 s25, s31  }
0x10a: {  	v24 =	vpsel p2, v24, v9;
	v28 =	vpsel p1, v28, v0;
	v21 =	vmax.u16 @p1 v21, v32;
	v32 =	vld @p0 [tilespmem:s26+$0x1660];
	s26 =	smov.u32 @p0 s26;
	s28 =	sshll.u32 s28, $0x9  }
0x10b: {  	v18 =	vpsel p2, v18, v8;
	v33 =	vpsel p1, v34, v0;
	v19 =	vmax.u16 @p1 v19, v28;
	v28 =	vld @p0 [tilespmem:s26+$0x1670];
	s28 =	sshra.s32 s28, $0x2  }
0x10c: {  	v16 =	vpsel p1, v16, v15;
	v22 =	vpsel p1, v22, v14;
	v24 =	vmax.u16 @p1 v24, v33;
	v57 =	vld [tilespmem:s28+$0x1600]  }
0x10d: {  	v18 =	vmax.u16 @p1 v18, v26;
	v17 =	vpsel p1, v17, v13;
	v20 =	vpsel p1, v20, v12;
	v58 =	vld [tilespmem:s28+$0x1610]  }
0x10e: {  	v21 =	vpsel p1, v21, v11;
	v19 =	vpsel p1, v19, v10;
	v16 =	vmax.u16 @p0 v16, v23;
	v59 =	vld [tilespmem:s28+$0x1620]  }
0x10f: {  	v24 =	vpsel p1, v24, v9;
	v18 =	vpsel p1, v18, v8;
	v15 =	vpsel p0, v16, v15;
	v16 =	vld [tilespmem:s28+$0x1630]  }
0x110: {  	v22 =	vmax.u16 @p0 v22, v27;
	v26 =	vpsel p0, v29, v0;
	v29 =	vpsel p0, v31, v0;
	v60 =	vld [tilespmem:s28+$0x1640]  }
0x111: {  	v30 =	vpsel p0, v30, v0;
	v25 =	vpsel p0, v25, v0;
	v31 =	vpsel p0, v32, v0;
	v61 =	vld [tilespmem:s28+$0x1650]  }
0x112: {  	v14 =	vpsel p0, v22, v14;
	v17 =	vmax.u16 @p0 v17, v26;
	v20 =	vmax.u16 @p0 v20, v29;
	v62 =	vld [tilespmem:s28+$0x1660]  }
0x113: {  	v21 =	vmax.u16 @p0 v21, v30;
	v19 =	vmax.u16 @p0 v19, v25;
	v24 =	vmax.u16 @p0 v24, v31;
	v63 =	vld [tilespmem:s28+$0x1670]  }
0x114: {  	v18 =	vmax.u16 @p0 v18, v28;
	v13 =	vpsel p0, v17, v13;
	v12 =	vpsel p0, v20, v12  }
0x115: {  	v11 =	vpsel p0, v21, v11;
	v10 =	vpsel p0, v19, v10;
	v9 =	vpsel p0, v24, v9  }
0x116: {  	v8 =	vpsel p0, v18, v8;
	v15 =	vmax.u16 v15, v57;
	v14 =	vmax.u16 v14, v58  }
0x117: {  	v13 =	vmax.u16 v13, v59;
	v12 =	vmax.u16 v12, v16;
	v11 =	vmax.u16 v11, v60  }
0x118: {  	v10 =	vmax.u16 v10, v61;
	v9 =	vmax.u16 v9, v62;
	v8 =	vmax.u16 v8, v63  }
.LBB2_4:
0x119: {  	p0 =	slt.s32 s24, $0x1  }
.Ltmp15:
0x11a: {  	_ = 	snop;
	(pc) =	sbr.rel @p0 .LBB2_23-.Ltmp15, $1  }
0x11b: {  	_ =	sdelay $0x3  }
0x11c: {  	p6 =	seq.s32 s24, $0x1  }
.Ltmp16:
0x11d: {  	_ = 	snop;
	(pc) =	sbr.rel @p6 .LBB2_6-.Ltmp16, $4  }
0x11e: {  	_ = 	snop  }
0x11f: {  	s26 =	sor.u32 $0x10, s25;
	s28 =	sadd.s32 $0xFFFFFFFF, s24  }
0x120: {  	p0 =	por $0x0, $0x0;
	p1 =	por $0x0, $0x0;
	p2 =	por $0x0, $0x0  }
0x121: {  	p3 =	por $0x0, $0x0;
	p4 =	por $0x0, $0x0;
	p5 =	por $0x0, $0x0  }
0x122: {  	p6 =	seq.s32 s28, $0x1  }
.Ltmp17:
0x123: {  	_ = 	snop;
	(pc) =	sbr.rel @p6 .LBB2_27-.Ltmp17, $2  }
0x124: {  	_ =	sdelay $0x2  }
0x125: {  	s28 =	sadd.s32 $0xFFFFFFFF, s28;
	p0 =	por $0x1, $0x1  }
0x126: {  	p6 =	seq.s32 s28, $0x1  }
.Ltmp18:
0x127: {  	_ = 	snop;
	(pc) =	sbr.rel @p6 .LBB2_29-.Ltmp18, $2  }
0x128: {  	_ =	sdelay $0x2  }
0x129: {  	s28 =	sadd.s32 $0xFFFFFFFF, s28;
	p1 =	por $0x1, $0x1  }
0x12a: {  	p6 =	seq.s32 s28, $0x1  }
.Ltmp19:
0x12b: {  	_ = 	snop;
	(pc) =	sbr.rel @p6 .LBB2_31-.Ltmp19, $3  }
0x12c: {  	_ = 	snop  }
0x12d: {  	v16 =	vmctz.xlane vm2;
	_ =	sdelay $0x1  }
0x12e: {  	s28 =	sadd.s32 $0xFFFFFFFF, s28;
	p2 =	por $0x1, $0x1;
	v19 =	vbroadcast v16, $0x0;
	(v2sf) =	vpush v16, $0x0  }
0x12f: {  	p6 =	seq.s32 s28, $0x1  }
.Ltmp20:
0x130: {  	vm3 =	vne.s32 v19, v0;
	(pc) =	sbr.rel @p6 .LBB2_33-.Ltmp20, $3  }
0x131: {  	vm3 =	vmand vm2, vm3  }
0x132: {  	v17 =	vmctz.xlane vm3;
	_ =	sdelay $0x1  }
0x133: {  	s28 =	sadd.s32 $0xFFFFFFFF, s28;
	p3 =	por $0x1, $0x1;
	v16 =	vbroadcast v17, $0x0;
	(v2sf) =	vpush v17, $0x0  }
0x134: {  	_ =	sdelay $0x3  }
0x135: {  	vm4 =	vne.s32 v16, v0  }
0x136: {  	vm3 =	vmand vm3, vm4  }
0x137: {  	v17 =	vmctz.xlane vm3;
	_ =	sdelay $0x1  }
0x138: {  	s29 =	spop (v2sf);
	(v2sf) =	vpush v17, $0x0;
	_ =	sdelay $0x3  }
0x139: {  	p6 =	seq.s32 s28, $0x1  }
.Ltmp21:
0x13a: {  	_ = 	snop;
	(pc) =	sbr.rel @p6 .LBB2_35-.Ltmp21, $3  }
0x13b: {  	_ =	sdelay $0x1  }
0x13c: {  	s30 =	sadd.s32 s29, s26  }
0x13d: {  	p4 =	por $0x1, $0x1;
	v26 =	vbroadcast v17, $0x0;
	s29 =	sadd.s32 $0xFFFFFFFF, s28;
	s30 =	sshll.u32 s30, $0x9  }
0x13e: {  	_ = 	snop  }
0x13f: {  	vm4 =	vne.s32 v26, v0  }
0x140: {  	vm3 =	vmand vm3, vm4  }
0x141: {  	v23 =	vmctz.xlane vm3;
	_ =	sdelay $0x1  }
0x142: {  	s28 =	sshra.s32 s30, $0x2;
	(v2sf) =	vpush v23, $0x0  }
0x143: {  	v18 =	vld [tilespmem:s28+$0x1600]  }
0x144: {  	p6 =	seq.s32 s29, $0x1;
	v21 =	vld [tilespmem:s28+$0x1610]  }
.Ltmp22:
0x145: {  	v17 =	vld [tilespmem:s28+$0x1620];
	(pc) =	sbr.rel @p6 .LBB2_37-.Ltmp22, $4  }
0x146: {  	v20 =	vld [tilespmem:s28+$0x1630]  }
0x147: {  	s31 =	spop (v2sf);
	v22 =	vld [tilespmem:s28+$0x1640]  }
0x148: {  	v24 =	vmovc v10;
	v27 =	vmov v9;
	v31 =	vmov v8;
	s0 =	sadd.s32 s31, s26;
	v25 =	vld [tilespmem:s28+$0x1650];
	v19 =	vbroadcast v23, $0x0  }
0x149: {  	p5 =	por $0x1, $0x1;
	s31 =	sadd.s32 $0xFFFFFFFF, s29;
	v29 =	vld [tilespmem:s28+$0x1660];
	s29 =	sshll.u32 s0, $0x9;
	v28 =	vmax.u16 v15, v18;
	v30 =	vmax.u16 v14, v21;
	v18 =	vmovc v13;
	v21 =	vmovc v12;
	v23 =	vmov v11  }
.LBB2_38:
0x14a: {  	p6 =	seq.s32 s31, $0x1;
	vm4 =	vne.s32 v19, v0;
	v18 =	vmax.u16 v18, v17;
	v19 =	vld [tilespmem:s28+$0x1670];
	s28 =	sshra.s32 s29, $0x2  }
0x14b: {  	vm3 =	vmand vm3, vm4;
	v32 =	vld [tilespmem:s28+$0x1600];
	v21 =	vmax.u16 v21, v20  }
0x14c: {  	v33 =	vld [tilespmem:s28+$0x1610];
	v23 =	vmax.u16 v23, v22  }
.Ltmp23:
0x14d: {  	v17 =	vld [tilespmem:s28+$0x1620];
	v24 =	vmax.u16 v24, v25;
	(pc) =	sbr.rel @!p6 .LBB2_38-.Ltmp23, $4  }
0x14e: {  	v25 =	vmctz.xlane vm3;
	v20 =	vld [tilespmem:s28+$0x1630];
	v27 =	vmax.u16 v27, v29  }
0x14f: {  	s0 =	spop (v2sf);
	v22 =	vld [tilespmem:s28+$0x1640];
	v31 =	vmax.u16 v31, v19  }
0x150: {  	v19 =	vbroadcast v25, $0x0;
	(v2sf) =	vpush v25, $0x0;
	s0 =	sadd.s32 s0, s26;
	v28 =	vmax.u16 v28, v32;
	v25 =	vld [tilespmem:s28+$0x1650]  }
0x151: {  	s31 =	sadd.s32 $0xFFFFFFFF, s31;
	s29 =	sshll.u32 s0, $0x9;
	v30 =	vmax.u16 v30, v33;
	v29 =	vld [tilespmem:s28+$0x1660]  }
.LBB2_39:
0x152: {  	_ = 	snop  }
0x153: {  	vm4 =	vne.s32 @p2 v19, v0;
	s0 =	sshra.s32 @p4 s29, $0x2;
	v19 =	vld @p5 [tilespmem:s28+$0x1670]  }
0x154: {  	vm3 =	vmand @p2 vm3, vm4;
	v32 =	vld @p4 [tilespmem:s0+$0x1600];
	vm4 =	vmmov vm2  }
0x155: {  	s28 =	spop @p3 (v2sf);
	v33 =	vld @p4 [tilespmem:s0+$0x1610];
	vm4 =	vmmov @p2 vm3  }
0x156: {  	v34 =	vld @p4 [tilespmem:s0+$0x1620];
	s28 =	sadd.s32 @p3 s28, s26;
	v35 =	vmctz.xlane @p1 vm4  }
0x157: {  	v36 =	vld @p4 [tilespmem:s0+$0x1630];
	s28 =	sshll.u32 @p3 s28, $0x9  }
0x158: {  	v37 =	vld @p4 [tilespmem:s0+$0x1640];
	s30 =	smov.u32 @p3 s28;
	v38 =	vbroadcast @p1 v35, $0x0;
	(v2sf) =	vpush @p1 v35, $0x0  }
0x159: {  	s28 =	sshra.s32 @p3 s30, $0x2;
	v35 =	vld @p4 [tilespmem:s0+$0x1650]  }
0x15a: {  	v20 =	vmax.u16 @p5 v21, v20;
	v21 =	vmax.u16 @p5 v23, v22;
	v22 =	vld @p3 [tilespmem:s28+$0x1600];
	v26 =	vpsel p1, v38, v26  }
0x15b: {  	v23 =	vmax.u16 @p5 v24, v25;
	v25 =	vld @p3 [tilespmem:s28+$0x1610];
	vm3 =	vne.s32 @p1 v26, v0  }
0x15c: {  	v24 =	vmax.u16 @p5 v27, v29;
	v27 =	vld @p3 [tilespmem:s28+$0x1620];
	vm4 =	vmand @p1 vm4, vm3;
	vm3 =	vmmov vm2  }
0x15d: {  	v19 =	vmax.u16 @p5 v31, v19;
	v31 =	vld @p3 [tilespmem:s28+$0x1630];
	vm3 =	vmmov @p1 vm4  }
0x15e: {  	v17 =	vmax.u16 @p5 v18, v17;
	v38 =	vld @p4 [tilespmem:s0+$0x1660];
	s0 =	smov.u32 @p4 s0;
	v26 =	vmax.u16 @p4 v28, v32;
	v28 =	vmctz.xlane @p0 vm3  }
0x15f: {  	v17 =	vpsel p5, v17, v13;
	v20 =	vpsel p5, v20, v12;
	v21 =	vpsel p5, v21, v11;
	v18 =	vld @p4 [tilespmem:s0+$0x1670];
	s0 =	spop @p2 (v2sf)  }
0x160: {  	v29 =	vmax.u16 @p4 v30, v33;
	v30 =	vpsel p4, v34, v0;
	v33 =	vld @p3 [tilespmem:s28+$0x1640];
	(v2sf) =	vpush @p0 v28, $0x0;
	s0 =	sadd.s32 @p2 s0, s26  }
0x161: {  	v17 =	vmax.u16 @p4 v17, v30;
	v30 =	vld @p3 [tilespmem:s28+$0x1650];
	v32 =	vpsel p4, v36, v0;
	v28 =	vbroadcast @p0 v28, $0x0;
	s0 =	sshll.u32 @p2 s0, $0x9  }
0x162: {  	v23 =	vpsel p5, v23, v10;
	v24 =	vpsel p5, v24, v9;
	v20 =	vmax.u16 @p4 v20, v32;
	v32 =	vld @p3 [tilespmem:s28+$0x1660];
	s28 =	smov.u32 @p3 s28;
	s0 =	smov.u32 @p2 s0  }
0x163: {  	v34 =	vpsel p4, v37, v0;
	v19 =	vpsel p5, v19, v8;
	v16 =	vpsel p0, v28, v16;
	v28 =	vld @p3 [tilespmem:s28+$0x1670];
	s0 =	sshra.s32 @p2 s0, $0x2  }
0x164: {  	v21 =	vmax.u16 @p4 v21, v34;
	v29 =	vpsel p4, v29, v14;
	vm4 =	vne.s32 @p0 v16, v0;
	v16 =	vld @p2 [tilespmem:s0+$0x1600]  }
0x165: {  	v17 =	vpsel p4, v17, v13;
	v35 =	vpsel p4, v35, v0;
	vm3 =	vmand @p0 vm3, vm4;
	v34 =	vld @p2 [tilespmem:s0+$0x1610]  }
0x166: {  	v23 =	vmax.u16 @p4 v23, v35;
	v36 =	vpsel p4, v38, v0;
	vm2 =	vmmov @p0 vm3;
	v35 =	vld @p2 [tilespmem:s0+$0x1620]  }
0x167: {  	v26 =	vpsel p4, v26, v15;
	v24 =	vmax.u16 @p4 v24, v36;
	v36 =	vld @p2 [tilespmem:s0+$0x1630];
	v56 =	vmctz.xlane vm2;
	s28 =	spop @p1 (v2sf)  }
0x168: {  	v21 =	vpsel p4, v21, v11;
	v22 =	vmax.u16 @p3 v26, v22;
	v25 =	vmax.u16 @p3 v29, v25;
	v26 =	vld @p2 [tilespmem:s0+$0x1640];
	s28 =	sadd.s32 @p1 s28, s26  }
0x169: {  	v27 =	vpsel p3, v27, v0;
	v18 =	vmax.u16 @p4 v19, v18;
	v19 =	vld @p2 [tilespmem:s0+$0x1650];
	(v2sf) =	vpush v56, $0x0;
	s28 =	sshll.u32 @p1 s28, $0x9  }
0x16a: {  	v20 =	vpsel p4, v20, v12;
	v29 =	vpsel p3, v31, v0;
	v17 =	vmax.u16 @p3 v17, v27;
	v27 =	vld @p2 [tilespmem:s0+$0x1660];
	s0 =	smov.u32 @p2 s0;
	s28 =	smov.u32 @p1 s28  }
0x16b: {  	v31 =	vpsel p3, v33, v0;
	v20 =	vmax.u16 @p3 v20, v29;
	v22 =	vpsel p3, v22, v15;
	v29 =	vld @p2 [tilespmem:s0+$0x1670];
	s28 =	sshra.s32 @p1 s28, $0x2  }
0x16c: {  	v23 =	vpsel p4, v23, v10;
	v30 =	vpsel p3, v30, v0;
	v21 =	vmax.u16 @p3 v21, v31;
	v31 =	vld @p1 [tilespmem:s28+$0x1600]  }
0x16d: {  	v23 =	vmax.u16 @p3 v23, v30;
	v24 =	vpsel p4, v24, v9;
	v32 =	vpsel p3, v32, v0;
	v30 =	vld @p1 [tilespmem:s28+$0x1610]  }
0x16e: {  	v25 =	vpsel p3, v25, v14;
	v17 =	vpsel p3, v17, v13;
	v24 =	vmax.u16 @p3 v24, v32;
	v32 =	vld @p1 [tilespmem:s28+$0x1620]  }
0x16f: {  	v18 =	vpsel p4, v18, v8;
	v16 =	vmax.u16 @p2 v22, v16;
	v22 =	vmax.u16 @p2 v25, v34;
	v25 =	vld @p1 [tilespmem:s28+$0x1630];
	s0 =	spop @p0 (v2sf)  }
0x170: {  	v20 =	vpsel p3, v20, v12;
	v18 =	vmax.u16 @p3 v18, v28;
	v28 =	vpsel p2, v35, v0;
	v33 =	vld @p1 [tilespmem:s28+$0x1640];
	s0 =	sadd.s32 @p0 s0, s26  }
0x171: {  	v21 =	vpsel p3, v21, v11;
	v34 =	vpsel p2, v36, v0;
	v17 =	vmax.u16 @p2 v17, v28;
	v28 =	vld @p1 [tilespmem:s28+$0x1650];
	s0 =	sshll.u32 @p0 s0, $0x9  }
0x172: {  	v23 =	vpsel p3, v23, v10;
	v26 =	vpsel p2, v26, v0;
	v20 =	vmax.u16 @p2 v20, v34;
	v34 =	vld @p1 [tilespmem:s28+$0x1660];
	s28 =	smov.u32 @p1 s28;
	s0 =	smov.u32 @p0 s0  }
0x173: {  	v24 =	vpsel p3, v24, v9;
	v19 =	vpsel p2, v19, v0;
	v21 =	vmax.u16 @p2 v21, v26;
	v26 =	vld @p1 [tilespmem:s28+$0x1670];
	s0 =	sshra.s32 @p0 s0, $0x2  }
0x174: {  	v18 =	vpsel p3, v18, v8;
	v27 =	vpsel p2, v27, v0;
	v19 =	vmax.u16 @p2 v23, v19;
	v23 =	vld @p0 [tilespmem:s0+$0x1600]  }
0x175: {  	v16 =	vpsel p2, v16, v15;
	v22 =	vpsel p2, v22, v14;
	v24 =	vmax.u16 @p2 v24, v27;
	v27 =	vld @p0 [tilespmem:s0+$0x1610]  }
0x176: {  	v18 =	vmax.u16 @p2 v18, v29;
	v17 =	vpsel p2, v17, v13;
	v20 =	vpsel p2, v20, v12;
	v29 =	vld @p0 [tilespmem:s0+$0x1620]  }
0x177: {  	v16 =	vmax.u16 @p1 v16, v31;
	v22 =	vmax.u16 @p1 v22, v30;
	v30 =	vpsel p1, v32, v0;
	v31 =	vld @p0 [tilespmem:s0+$0x1630]  }
0x178: {  	v21 =	vpsel p2, v21, v11;
	v25 =	vpsel p1, v25, v0;
	v17 =	vmax.u16 @p1 v17, v30;
	v30 =	vld @p0 [tilespmem:s0+$0x1640];
	s30 =	spop (v2sf)  }
0x179: {  	v19 =	vpsel p2, v19, v10;
	v32 =	vpsel p1, v33, v0;
	v20 =	vmax.u16 @p1 v20, v25;
	v25 =	vld @p0 [tilespmem:s0+$0x1650];
	s31 =	sadd.s32 s30, s26  }
0x17a: {  	v24 =	vpsel p2, v24, v9;
	v28 =	vpsel p1, v28, v0;
	v21 =	vmax.u16 @p1 v21, v32;
	v32 =	vld @p0 [tilespmem:s0+$0x1660];
	s0 =	smov.u32 @p0 s0;
	s26 =	sshll.u32 s31, $0x9  }
0x17b: {  	v18 =	vpsel p2, v18, v8;
	v33 =	vpsel p1, v34, v0;
	v19 =	vmax.u16 @p1 v19, v28;
	v28 =	vld @p0 [tilespmem:s0+$0x1670];
	s26 =	sshra.s32 s26, $0x2  }
0x17c: {  	v16 =	vpsel p1, v16, v15;
	v22 =	vpsel p1, v22, v14;
	v24 =	vmax.u16 @p1 v24, v33;
	v57 =	vld [tilespmem:s26+$0x1600]  }
0x17d: {  	v18 =	vmax.u16 @p1 v18, v26;
	v17 =	vpsel p1, v17, v13;
	v20 =	vpsel p1, v20, v12;
	v58 =	vld [tilespmem:s26+$0x1610]  }
0x17e: {  	v21 =	vpsel p1, v21, v11;
	v19 =	vpsel p1, v19, v10;
	v16 =	vmax.u16 @p0 v16, v23;
	v59 =	vld [tilespmem:s26+$0x1620]  }
0x17f: {  	v24 =	vpsel p1, v24, v9;
	v18 =	vpsel p1, v18, v8;
	v15 =	vpsel p0, v16, v15;
	v16 =	vld [tilespmem:s26+$0x1630]  }
0x180: {  	v22 =	vmax.u16 @p0 v22, v27;
	v26 =	vpsel p0, v29, v0;
	v29 =	vpsel p0, v31, v0;
	v60 =	vld [tilespmem:s26+$0x1640]  }
0x181: {  	v30 =	vpsel p0, v30, v0;
	v25 =	vpsel p0, v25, v0;
	v31 =	vpsel p0, v32, v0;
	v61 =	vld [tilespmem:s26+$0x1650]  }
0x182: {  	v14 =	vpsel p0, v22, v14;
	v17 =	vmax.u16 @p0 v17, v26;
	v20 =	vmax.u16 @p0 v20, v29;
	v62 =	vld [tilespmem:s26+$0x1660]  }
0x183: {  	v21 =	vmax.u16 @p0 v21, v30;
	v19 =	vmax.u16 @p0 v19, v25;
	v24 =	vmax.u16 @p0 v24, v31;
	v63 =	vld [tilespmem:s26+$0x1670]  }
0x184: {  	v18 =	vmax.u16 @p0 v18, v28;
	v13 =	vpsel p0, v17, v13;
	v12 =	vpsel p0, v20, v12  }
0x185: {  	v11 =	vpsel p0, v21, v11;
	v10 =	vpsel p0, v19, v10;
	v9 =	vpsel p0, v24, v9  }
0x186: {  	v8 =	vpsel p0, v18, v8;
	v15 =	vmax.u16 v15, v57;
	v14 =	vmax.u16 v14, v58  }
0x187: {  	v13 =	vmax.u16 v13, v59;
	v12 =	vmax.u16 v12, v16;
	v11 =	vmax.u16 v11, v60  }
0x188: {  	v10 =	vmax.u16 v10, v61;
	v9 =	vmax.u16 v9, v62;
	v8 =	vmax.u16 v8, v63  }
.LBB2_23:
0x189: {  	p0 =	slt.s32 s21, $0x1  }
.Ltmp24:
0x18a: {  	_ = 	snop;
	(pc) =	sbr.rel @p0 .LBB2_40-.Ltmp24, $1  }
0x18b: {  	_ =	sdelay $0x3  }
0x18c: {  	p6 =	seq.s32 s21, $0x1  }
.Ltmp25:
0x18d: {  	_ = 	snop;
	(pc) =	sbr.rel @p6 .LBB2_25-.Ltmp25, $4  }
0x18e: {  	_ = 	snop  }
0x18f: {  	s26 =	sor.u32 $0x20, s25;
	s28 =	sadd.s32 $0xFFFFFFFF, s21  }
0x190: {  	p0 =	por $0x0, $0x0;
	p1 =	por $0x0, $0x0;
	p2 =	por $0x0, $0x0  }
0x191: {  	p3 =	por $0x0, $0x0;
	p4 =	por $0x0, $0x0;
	p5 =	por $0x0, $0x0  }
0x192: {  	p6 =	seq.s32 s28, $0x1  }
.Ltmp26:
0x193: {  	_ = 	snop;
	(pc) =	sbr.rel @p6 .LBB2_44-.Ltmp26, $2  }
0x194: {  	_ =	sdelay $0x2  }
0x195: {  	s28 =	sadd.s32 $0xFFFFFFFF, s28;
	p0 =	por $0x1, $0x1  }
0x196: {  	p6 =	seq.s32 s28, $0x1  }
.Ltmp27:
0x197: {  	_ = 	snop;
	(pc) =	sbr.rel @p6 .LBB2_46-.Ltmp27, $2  }
0x198: {  	_ =	sdelay $0x2  }
0x199: {  	s28 =	sadd.s32 $0xFFFFFFFF, s28;
	p1 =	por $0x1, $0x1  }
0x19a: {  	p6 =	seq.s32 s28, $0x1  }
.Ltmp28:
0x19b: {  	_ = 	snop;
	(pc) =	sbr.rel @p6 .LBB2_48-.Ltmp28, $3  }
0x19c: {  	_ = 	snop  }
0x19d: {  	v16 =	vmctz.xlane vm1;
	_ =	sdelay $0x1  }
0x19e: {  	s28 =	sadd.s32 $0xFFFFFFFF, s28;
	p2 =	por $0x1, $0x1;
	v19 =	vbroadcast v16, $0x0;
	(v2sf) =	vpush v16, $0x0  }
0x19f: {  	p6 =	seq.s32 s28, $0x1  }
.Ltmp29:
0x1a0: {  	vm2 =	vne.s32 v19, v0;
	(pc) =	sbr.rel @p6 .LBB2_50-.Ltmp29, $3  }
0x1a1: {  	vm2 =	vmand vm1, vm2  }
0x1a2: {  	v17 =	vmctz.xlane vm2;
	_ =	sdelay $0x1  }
0x1a3: {  	s28 =	sadd.s32 $0xFFFFFFFF, s28;
	p3 =	por $0x1, $0x1;
	v16 =	vbroadcast v17, $0x0;
	(v2sf) =	vpush v17, $0x0  }
0x1a4: {  	_ =	sdelay $0x3  }
0x1a5: {  	vm3 =	vne.s32 v16, v0  }
0x1a6: {  	vm2 =	vmand vm2, vm3  }
0x1a7: {  	v17 =	vmctz.xlane vm2;
	_ =	sdelay $0x1  }
0x1a8: {  	s0 =	spop (v2sf);
	(v2sf) =	vpush v17, $0x0;
	_ =	sdelay $0x3  }
0x1a9: {  	p6 =	seq.s32 s28, $0x1  }
.Ltmp30:
0x1aa: {  	_ = 	snop;
	(pc) =	sbr.rel @p6 .LBB2_52-.Ltmp30, $3  }
0x1ab: {  	_ =	sdelay $0x1  }
0x1ac: {  	s0 =	sadd.s32 s0, s26  }
0x1ad: {  	s29 =	sadd.s32 $0xFFFFFFFF, s28;
	p4 =	por $0x1, $0x1;
	v26 =	vbroadcast v17, $0x0;
	s30 =	sshll.u32 s0, $0x9  }
0x1ae: {  	_ = 	snop  }
0x1af: {  	vm3 =	vne.s32 v26, v0  }
0x1b0: {  	vm2 =	vmand vm2, vm3  }
0x1b1: {  	v23 =	vmctz.xlane vm2;
	_ =	sdelay $0x1  }
0x1b2: {  	s28 =	sshra.s32 s30, $0x2;
	(v2sf) =	vpush v23, $0x0  }
0x1b3: {  	v18 =	vld [tilespmem:s28+$0x1600]  }
0x1b4: {  	p6 =	seq.s32 s29, $0x1;
	v21 =	vld [tilespmem:s28+$0x1610]  }
.Ltmp31:
0x1b5: {  	v17 =	vld [tilespmem:s28+$0x1620];
	(pc) =	sbr.rel @p6 .LBB2_54-.Ltmp31, $4  }
0x1b6: {  	v20 =	vld [tilespmem:s28+$0x1630]  }
0x1b7: {  	s0 =	spop (v2sf);
	v22 =	vld [tilespmem:s28+$0x1640]  }
0x1b8: {  	v24 =	vmovc v10;
	v27 =	vmov v9;
	v31 =	vmov v8;
	s0 =	sadd.s32 s0, s26;
	v25 =	vld [tilespmem:s28+$0x1650];
	v19 =	vbroadcast v23, $0x0  }
0x1b9: {  	s31 =	sadd.s32 $0xFFFFFFFF, s29;
	p5 =	por $0x1, $0x1;
	v29 =	vld [tilespmem:s28+$0x1660];
	s29 =	sshll.u32 s0, $0x9;
	v28 =	vmax.u16 v15, v18;
	v30 =	vmax.u16 v14, v21;
	v18 =	vmovc v13;
	v21 =	vmovc v12;
	v23 =	vmov v11  }
.LBB2_55:
0x1ba: {  	p6 =	seq.s32 s31, $0x1;
	vm3 =	vne.s32 v19, v0;
	v18 =	vmax.u16 v18, v17;
	v19 =	vld [tilespmem:s28+$0x1670];
	s28 =	sshra.s32 s29, $0x2  }
0x1bb: {  	vm2 =	vmand vm2, vm3;
	v32 =	vld [tilespmem:s28+$0x1600];
	v21 =	vmax.u16 v21, v20  }
0x1bc: {  	v33 =	vld [tilespmem:s28+$0x1610];
	v23 =	vmax.u16 v23, v22  }
.Ltmp32:
0x1bd: {  	v17 =	vld [tilespmem:s28+$0x1620];
	v24 =	vmax.u16 v24, v25;
	(pc) =	sbr.rel @!p6 .LBB2_55-.Ltmp32, $4  }
0x1be: {  	v25 =	vmctz.xlane vm2;
	v20 =	vld [tilespmem:s28+$0x1630];
	v27 =	vmax.u16 v27, v29  }
0x1bf: {  	s0 =	spop (v2sf);
	v22 =	vld [tilespmem:s28+$0x1640];
	v31 =	vmax.u16 v31, v19  }
0x1c0: {  	v19 =	vbroadcast v25, $0x0;
	(v2sf) =	vpush v25, $0x0;
	s0 =	sadd.s32 s0, s26;
	v28 =	vmax.u16 v28, v32;
	v25 =	vld [tilespmem:s28+$0x1650]  }
0x1c1: {  	s31 =	sadd.s32 $0xFFFFFFFF, s31;
	s29 =	sshll.u32 s0, $0x9;
	v30 =	vmax.u16 v30, v33;
	v29 =	vld [tilespmem:s28+$0x1660]  }
.LBB2_56:
0x1c2: {  	_ = 	snop  }
0x1c3: {  	vm3 =	vne.s32 @p2 v19, v0;
	s0 =	sshra.s32 @p4 s29, $0x2;
	v19 =	vld @p5 [tilespmem:s28+$0x1670]  }
0x1c4: {  	vm2 =	vmand @p2 vm2, vm3;
	v32 =	vld @p4 [tilespmem:s0+$0x1600];
	vm3 =	vmmov vm1  }
0x1c5: {  	s28 =	spop @p3 (v2sf);
	v33 =	vld @p4 [tilespmem:s0+$0x1610];
	vm3 =	vmmov @p2 vm2  }
0x1c6: {  	v34 =	vld @p4 [tilespmem:s0+$0x1620];
	s28 =	sadd.s32 @p3 s28, s26;
	v35 =	vmctz.xlane @p1 vm3  }
0x1c7: {  	v36 =	vld @p4 [tilespmem:s0+$0x1630];
	s28 =	sshll.u32 @p3 s28, $0x9  }
0x1c8: {  	v37 =	vld @p4 [tilespmem:s0+$0x1640];
	s30 =	smov.u32 @p3 s28;
	v38 =	vbroadcast @p1 v35, $0x0;
	(v2sf) =	vpush @p1 v35, $0x0  }
0x1c9: {  	s28 =	sshra.s32 @p3 s30, $0x2;
	v35 =	vld @p4 [tilespmem:s0+$0x1650]  }
0x1ca: {  	v20 =	vmax.u16 @p5 v21, v20;
	v21 =	vmax.u16 @p5 v23, v22;
	v22 =	vld @p3 [tilespmem:s28+$0x1600];
	v26 =	vpsel p1, v38, v26  }
0x1cb: {  	v23 =	vmax.u16 @p5 v24, v25;
	v25 =	vld @p3 [tilespmem:s28+$0x1610];
	vm2 =	vne.s32 @p1 v26, v0  }
0x1cc: {  	v24 =	vmax.u16 @p5 v27, v29;
	v27 =	vld @p3 [tilespmem:s28+$0x1620];
	vm3 =	vmand @p1 vm3, vm2;
	vm2 =	vmmov vm1  }
0x1cd: {  	v19 =	vmax.u16 @p5 v31, v19;
	v31 =	vld @p3 [tilespmem:s28+$0x1630];
	vm2 =	vmmov @p1 vm3  }
0x1ce: {  	v17 =	vmax.u16 @p5 v18, v17;
	v38 =	vld @p4 [tilespmem:s0+$0x1660];
	s0 =	smov.u32 @p4 s0;
	v26 =	vmax.u16 @p4 v28, v32;
	v28 =	vmctz.xlane @p0 vm2  }
0x1cf: {  	v17 =	vpsel p5, v17, v13;
	v20 =	vpsel p5, v20, v12;
	v21 =	vpsel p5, v21, v11;
	v18 =	vld @p4 [tilespmem:s0+$0x1670];
	s0 =	spop @p2 (v2sf)  }
0x1d0: {  	v29 =	vmax.u16 @p4 v30, v33;
	v30 =	vpsel p4, v34, v0;
	v33 =	vld @p3 [tilespmem:s28+$0x1640];
	(v2sf) =	vpush @p0 v28, $0x0;
	s0 =	sadd.s32 @p2 s0, s26  }
0x1d1: {  	v17 =	vmax.u16 @p4 v17, v30;
	v30 =	vld @p3 [tilespmem:s28+$0x1650];
	v32 =	vpsel p4, v36, v0;
	v28 =	vbroadcast @p0 v28, $0x0;
	s0 =	sshll.u32 @p2 s0, $0x9  }
0x1d2: {  	v23 =	vpsel p5, v23, v10;
	v24 =	vpsel p5, v24, v9;
	v20 =	vmax.u16 @p4 v20, v32;
	v32 =	vld @p3 [tilespmem:s28+$0x1660];
	s28 =	smov.u32 @p3 s28;
	s0 =	smov.u32 @p2 s0  }
0x1d3: {  	v34 =	vpsel p4, v37, v0;
	v19 =	vpsel p5, v19, v8;
	v16 =	vpsel p0, v28, v16;
	v28 =	vld @p3 [tilespmem:s28+$0x1670];
	s0 =	sshra.s32 @p2 s0, $0x2  }
0x1d4: {  	v21 =	vmax.u16 @p4 v21, v34;
	v29 =	vpsel p4, v29, v14;
	vm3 =	vne.s32 @p0 v16, v0;
	v16 =	vld @p2 [tilespmem:s0+$0x1600]  }
0x1d5: {  	v17 =	vpsel p4, v17, v13;
	v35 =	vpsel p4, v35, v0;
	vm2 =	vmand @p0 vm2, vm3;
	v34 =	vld @p2 [tilespmem:s0+$0x1610]  }
0x1d6: {  	v23 =	vmax.u16 @p4 v23, v35;
	v36 =	vpsel p4, v38, v0;
	vm1 =	vmmov @p0 vm2;
	v35 =	vld @p2 [tilespmem:s0+$0x1620]  }
0x1d7: {  	v26 =	vpsel p4, v26, v15;
	v24 =	vmax.u16 @p4 v24, v36;
	v36 =	vld @p2 [tilespmem:s0+$0x1630];
	v56 =	vmctz.xlane vm1;
	s28 =	spop @p1 (v2sf)  }
0x1d8: {  	v21 =	vpsel p4, v21, v11;
	v22 =	vmax.u16 @p3 v26, v22;
	v25 =	vmax.u16 @p3 v29, v25;
	v26 =	vld @p2 [tilespmem:s0+$0x1640];
	s28 =	sadd.s32 @p1 s28, s26  }
0x1d9: {  	v27 =	vpsel p3, v27, v0;
	v18 =	vmax.u16 @p4 v19, v18;
	v19 =	vld @p2 [tilespmem:s0+$0x1650];
	(v2sf) =	vpush v56, $0x0;
	s28 =	sshll.u32 @p1 s28, $0x9  }
0x1da: {  	v20 =	vpsel p4, v20, v12;
	v29 =	vpsel p3, v31, v0;
	v17 =	vmax.u16 @p3 v17, v27;
	v27 =	vld @p2 [tilespmem:s0+$0x1660];
	s0 =	smov.u32 @p2 s0;
	s28 =	smov.u32 @p1 s28  }
0x1db: {  	v31 =	vpsel p3, v33, v0;
	v20 =	vmax.u16 @p3 v20, v29;
	v22 =	vpsel p3, v22, v15;
	v29 =	vld @p2 [tilespmem:s0+$0x1670];
	s28 =	sshra.s32 @p1 s28, $0x2  }
0x1dc: {  	v23 =	vpsel p4, v23, v10;
	v30 =	vpsel p3, v30, v0;
	v21 =	vmax.u16 @p3 v21, v31;
	v31 =	vld @p1 [tilespmem:s28+$0x1600]  }
0x1dd: {  	v23 =	vmax.u16 @p3 v23, v30;
	v24 =	vpsel p4, v24, v9;
	v32 =	vpsel p3, v32, v0;
	v30 =	vld @p1 [tilespmem:s28+$0x1610]  }
0x1de: {  	v25 =	vpsel p3, v25, v14;
	v17 =	vpsel p3, v17, v13;
	v24 =	vmax.u16 @p3 v24, v32;
	v32 =	vld @p1 [tilespmem:s28+$0x1620]  }
0x1df: {  	v18 =	vpsel p4, v18, v8;
	v16 =	vmax.u16 @p2 v22, v16;
	v22 =	vmax.u16 @p2 v25, v34;
	v25 =	vld @p1 [tilespmem:s28+$0x1630];
	s0 =	spop @p0 (v2sf)  }
0x1e0: {  	v20 =	vpsel p3, v20, v12;
	v18 =	vmax.u16 @p3 v18, v28;
	v28 =	vpsel p2, v35, v0;
	v33 =	vld @p1 [tilespmem:s28+$0x1640];
	s0 =	sadd.s32 @p0 s0, s26  }
0x1e1: {  	v21 =	vpsel p3, v21, v11;
	v34 =	vpsel p2, v36, v0;
	v17 =	vmax.u16 @p2 v17, v28;
	v28 =	vld @p1 [tilespmem:s28+$0x1650];
	s0 =	sshll.u32 @p0 s0, $0x9  }
0x1e2: {  	v23 =	vpsel p3, v23, v10;
	v26 =	vpsel p2, v26, v0;
	v20 =	vmax.u16 @p2 v20, v34;
	v34 =	vld @p1 [tilespmem:s28+$0x1660];
	s28 =	smov.u32 @p1 s28;
	s0 =	smov.u32 @p0 s0  }
0x1e3: {  	v24 =	vpsel p3, v24, v9;
	v19 =	vpsel p2, v19, v0;
	v21 =	vmax.u16 @p2 v21, v26;
	v26 =	vld @p1 [tilespmem:s28+$0x1670];
	s0 =	sshra.s32 @p0 s0, $0x2  }
0x1e4: {  	v18 =	vpsel p3, v18, v8;
	v27 =	vpsel p2, v27, v0;
	v19 =	vmax.u16 @p2 v23, v19;
	v23 =	vld @p0 [tilespmem:s0+$0x1600]  }
0x1e5: {  	v16 =	vpsel p2, v16, v15;
	v22 =	vpsel p2, v22, v14;
	v24 =	vmax.u16 @p2 v24, v27;
	v27 =	vld @p0 [tilespmem:s0+$0x1610]  }
0x1e6: {  	v18 =	vmax.u16 @p2 v18, v29;
	v17 =	vpsel p2, v17, v13;
	v20 =	vpsel p2, v20, v12;
	v29 =	vld @p0 [tilespmem:s0+$0x1620]  }
0x1e7: {  	v16 =	vmax.u16 @p1 v16, v31;
	v22 =	vmax.u16 @p1 v22, v30;
	v30 =	vpsel p1, v32, v0;
	v31 =	vld @p0 [tilespmem:s0+$0x1630]  }
0x1e8: {  	v21 =	vpsel p2, v21, v11;
	v25 =	vpsel p1, v25, v0;
	v17 =	vmax.u16 @p1 v17, v30;
	v30 =	vld @p0 [tilespmem:s0+$0x1640];
	s30 =	spop (v2sf)  }
0x1e9: {  	v19 =	vpsel p2, v19, v10;
	v32 =	vpsel p1, v33, v0;
	v20 =	vmax.u16 @p1 v20, v25;
	v25 =	vld @p0 [tilespmem:s0+$0x1650];
	s31 =	sadd.s32 s30, s26  }
0x1ea: {  	v24 =	vpsel p2, v24, v9;
	v28 =	vpsel p1, v28, v0;
	v21 =	vmax.u16 @p1 v21, v32;
	v32 =	vld @p0 [tilespmem:s0+$0x1660];
	s0 =	smov.u32 @p0 s0;
	s26 =	sshll.u32 s31, $0x9  }
0x1eb: {  	v18 =	vpsel p2, v18, v8;
	v33 =	vpsel p1, v34, v0;
	v19 =	vmax.u16 @p1 v19, v28;
	v28 =	vld @p0 [tilespmem:s0+$0x1670];
	s26 =	sshra.s32 s26, $0x2  }
0x1ec: {  	v16 =	vpsel p1, v16, v15;
	v22 =	vpsel p1, v22, v14;
	v24 =	vmax.u16 @p1 v24, v33;
	v57 =	vld [tilespmem:s26+$0x1600]  }
0x1ed: {  	v18 =	vmax.u16 @p1 v18, v26;
	v17 =	vpsel p1, v17, v13;
	v20 =	vpsel p1, v20, v12;
	v58 =	vld [tilespmem:s26+$0x1610]  }
0x1ee: {  	v21 =	vpsel p1, v21, v11;
	v19 =	vpsel p1, v19, v10;
	v16 =	vmax.u16 @p0 v16, v23;
	v59 =	vld [tilespmem:s26+$0x1620]  }
0x1ef: {  	v24 =	vpsel p1, v24, v9;
	v18 =	vpsel p1, v18, v8;
	v15 =	vpsel p0, v16, v15;
	v16 =	vld [tilespmem:s26+$0x1630]  }
0x1f0: {  	v22 =	vmax.u16 @p0 v22, v27;
	v26 =	vpsel p0, v29, v0;
	v29 =	vpsel p0, v31, v0;
	v60 =	vld [tilespmem:s26+$0x1640]  }
0x1f1: {  	v30 =	vpsel p0, v30, v0;
	v25 =	vpsel p0, v25, v0;
	v31 =	vpsel p0, v32, v0;
	v61 =	vld [tilespmem:s26+$0x1650]  }
0x1f2: {  	v14 =	vpsel p0, v22, v14;
	v17 =	vmax.u16 @p0 v17, v26;
	v20 =	vmax.u16 @p0 v20, v29;
	v62 =	vld [tilespmem:s26+$0x1660]  }
0x1f3: {  	v21 =	vmax.u16 @p0 v21, v30;
	v19 =	vmax.u16 @p0 v19, v25;
	v24 =	vmax.u16 @p0 v24, v31;
	v63 =	vld [tilespmem:s26+$0x1670]  }
0x1f4: {  	v18 =	vmax.u16 @p0 v18, v28;
	v13 =	vpsel p0, v17, v13;
	v12 =	vpsel p0, v20, v12  }
0x1f5: {  	v11 =	vpsel p0, v21, v11;
	v10 =	vpsel p0, v19, v10;
	v9 =	vpsel p0, v24, v9  }
0x1f6: {  	v8 =	vpsel p0, v18, v8;
	v15 =	vmax.u16 v15, v57;
	v14 =	vmax.u16 v14, v58  }
0x1f7: {  	v13 =	vmax.u16 v13, v59;
	v12 =	vmax.u16 v12, v16;
	v11 =	vmax.u16 v11, v60  }
0x1f8: {  	v10 =	vmax.u16 v10, v61;
	v9 =	vmax.u16 v9, v62;
	v8 =	vmax.u16 v8, v63  }
.LBB2_40:
0x1f9: {  	p0 =	slt.s32 s22, $0x1  }
.Ltmp33:
0x1fa: {  	_ = 	snop;
	(pc) =	sbr.rel @p0 .LBB2_71-.Ltmp33, $1  }
0x1fb: {  	_ =	sdelay $0x3  }
0x1fc: {  	p6 =	sne.s32 s22, $0x1  }
.Ltmp34:
0x1fd: {  	_ = 	snop;
	(pc) =	sbr.rel @!p6 .LBB2_42-.Ltmp34, $4  }
0x1fe: {  	_ = 	snop  }
0x1ff: {  	s25 =	sor.u32 $0x30, s25;
	s26 =	sadd.s32 $0xFFFFFFFF, s22  }
0x200: {  	p0 =	por $0x0, $0x0;
	p1 =	por $0x0, $0x0;
	p2 =	por $0x0, $0x0  }
0x201: {  	p3 =	por $0x0, $0x0;
	p4 =	por $0x0, $0x0;
	p5 =	por $0x0, $0x0  }
0x202: {  	p6 =	sne.s32 s26, $0x1  }
.Ltmp35:
0x203: {  	_ = 	snop;
	(pc) =	sbr.rel @!p6 .LBB2_58-.Ltmp35, $2  }
0x204: {  	_ =	sdelay $0x2  }
0x205: {  	s26 =	sadd.s32 $0xFFFFFFFF, s26;
	p0 =	por $0x1, $0x1  }
0x206: {  	p6 =	sne.s32 s26, $0x1  }
.Ltmp36:
0x207: {  	_ = 	snop;
	(pc) =	sbr.rel @!p6 .LBB2_60-.Ltmp36, $2  }
0x208: {  	_ =	sdelay $0x2  }
0x209: {  	s26 =	sadd.s32 $0xFFFFFFFF, s26;
	p1 =	por $0x1, $0x1  }
0x20a: {  	v16 =	vmctz.xlane vm0;
	_ =	sdelay $0x1  }
0x20b: {  	(v2sf) =	vpush v16, $0x0;
	_ =	sdelay $0x6  }
0x20c: {  	p6 =	sne.s32 s26, $0x1  }
.Ltmp37:
0x20d: {  	_ = 	snop;
	(pc) =	sbr.rel @!p6 .LBB2_62-.Ltmp37, $3  }
0x20e: {  	_ =	sdelay $0x1  }
0x20f: {  	v19 =	vbroadcast v16, $0x0  }
0x210: {  	s26 =	sadd.s32 $0xFFFFFFFF, s26;
	p2 =	por $0x1, $0x1  }
0x211: {  	p6 =	sne.s32 s26, $0x1  }
.Ltmp38:
0x212: {  	vm1 =	vne.s32 v19, v0;
	(pc) =	sbr.rel @!p6 .LBB2_64-.Ltmp38, $3  }
0x213: {  	vm1 =	vmand vm0, vm1  }
0x214: {  	v17 =	vmctz.xlane vm1;
	_ =	sdelay $0x1  }
0x215: {  	s26 =	sadd.s32 $0xFFFFFFFF, s26;
	p3 =	por $0x1, $0x1;
	v16 =	vbroadcast v17, $0x0;
	(v2sf) =	vpush v17, $0x0  }
0x216: {  	_ = 	snop  }
0x217: {  	vm2 =	vne.s32 v16, v0  }
0x218: {  	vm1 =	vmand vm1, vm2  }
0x219: {  	v17 =	vmctz.xlane vm1;
	_ =	sdelay $0x1  }
0x21a: {  	s0 =	spop (v2sf);
	(v2sf) =	vpush v17, $0x0;
	_ =	sdelay $0x6  }
0x21b: {  	p6 =	sne.s32 s26, $0x1  }
.Ltmp39:
0x21c: {  	_ = 	snop;
	(pc) =	sbr.rel @!p6 .LBB2_66-.Ltmp39, $3  }
0x21d: {  	_ =	sdelay $0x1  }
0x21e: {  	s0 =	sadd.s32 s0, s25  }
0x21f: {  	s28 =	sadd.s32 $0xFFFFFFFF, s26;
	p4 =	por $0x1, $0x1;
	s29 =	sshll.u32 s0, $0x9;
	v26 =	vbroadcast v17, $0x0  }
0x220: {  	_ = 	snop  }
0x221: {  	s26 =	sshra.s32 s29, $0x2;
	vm2 =	vne.s32 v26, v0  }
0x222: {  	v18 =	vld [tilespmem:s26+$0x1600];
	vm1 =	vmand vm1, vm2  }
0x223: {  	p6 =	sne.s32 s28, $0x1;
	v21 =	vld [tilespmem:s26+$0x1610];
	v23 =	vmctz.xlane vm1  }
.Ltmp40:
0x224: {  	v17 =	vld [tilespmem:s26+$0x1620];
	(pc) =	sbr.rel @!p6 .LBB2_68-.Ltmp40, $4  }
0x225: {  	v20 =	vld [tilespmem:s26+$0x1630];
	(v2sf) =	vpush v23, $0x0  }
0x226: {  	s0 =	spop (v2sf);
	v22 =	vld [tilespmem:s26+$0x1640]  }
0x227: {  	v24 =	vmovc v10;
	v27 =	vmov v9;
	v31 =	vmov v8;
	s0 =	sadd.s32 s0, s25;
	v25 =	vld [tilespmem:s26+$0x1650];
	v19 =	vbroadcast v23, $0x0  }
0x228: {  	s30 =	sadd.s32 $0xFFFFFFFF, s28;
	p5 =	por $0x1, $0x1;
	v29 =	vld [tilespmem:s26+$0x1660];
	s28 =	sshll.u32 s0, $0x9;
	v28 =	vmax.u16 v15, v18;
	v30 =	vmax.u16 v14, v21;
	v18 =	vmovc v13;
	v21 =	vmovc v12;
	v23 =	vmov v11  }
.LBB2_69:
0x229: {  	p6 =	sne.s32 s30, $0x1;
	vm2 =	vne.s32 v19, v0;
	v18 =	vmax.u16 v18, v17;
	v19 =	vld [tilespmem:s26+$0x1670];
	s26 =	sshra.s32 s28, $0x2  }
0x22a: {  	v21 =	vmax.u16 v21, v20;
	vm1 =	vmand vm1, vm2;
	v32 =	vld [tilespmem:s26+$0x1600]  }
0x22b: {  	v23 =	vmax.u16 v23, v22;
	v33 =	vld [tilespmem:s26+$0x1610]  }
.Ltmp41:
0x22c: {  	v24 =	vmax.u16 v24, v25;
	v17 =	vld [tilespmem:s26+$0x1620];
	(pc) =	sbr.rel @p6 .LBB2_69-.Ltmp41, $4  }
0x22d: {  	v27 =	vmax.u16 v27, v29;
	v25 =	vmctz.xlane vm1;
	v20 =	vld [tilespmem:s26+$0x1630]  }
0x22e: {  	s0 =	spop (v2sf);
	v22 =	vld [tilespmem:s26+$0x1640];
	v31 =	vmax.u16 v31, v19  }
0x22f: {  	v19 =	vbroadcast v25, $0x0;
	(v2sf) =	vpush v25, $0x0;
	s0 =	sadd.s32 s0, s25;
	v28 =	vmax.u16 v28, v32;
	v25 =	vld [tilespmem:s26+$0x1650]  }
0x230: {  	s30 =	sadd.s32 $0xFFFFFFFF, s30;
	s28 =	sshll.u32 s0, $0x9;
	v30 =	vmax.u16 v30, v33;
	v29 =	vld [tilespmem:s26+$0x1660]  }
.Ltmp42:
0x231: {  	_ = 	snop;
	(pc) =	sbr.rel .LBB2_70-.Ltmp42, $1  }
0x232: {  	_ =	sdelay $0x3  }
.LBB2_8:
.Ltmp43:
0x233: {  	(pc) =	sbr.rel .LBB2_22-.Ltmp43, $3  }
0x234: {  	_ =	sdelay $0x1  }
0x235: {  	v18 =	vmovc v13;
	vm4 =	vmmov vm3;
	v21 =	vmov v12;
	v23 =	vmov v11  }
0x236: {  	v24 =	vmovc v10;
	v27 =	vmovc v9;
	v31 =	vmov v8;
	v28 =	vmov v15;
	v30 =	vmov v14  }
.LBB2_6:
.Ltmp44:
0x237: {  	(pc) =	sbr.rel .LBB2_39-.Ltmp44, $3  }
0x238: {  	_ =	sdelay $0x1  }
0x239: {  	v18 =	vmovc v13;
	vm3 =	vmmov vm2;
	v21 =	vmov v12;
	v23 =	vmov v11  }
0x23a: {  	v24 =	vmovc v10;
	v27 =	vmovc v9;
	v31 =	vmov v8;
	v28 =	vmov v15;
	v30 =	vmov v14  }
.LBB2_25:
.Ltmp45:
0x23b: {  	(pc) =	sbr.rel .LBB2_56-.Ltmp45, $3  }
0x23c: {  	_ =	sdelay $0x1  }
0x23d: {  	v18 =	vmovc v13;
	vm2 =	vmmov vm1;
	v21 =	vmov v12;
	v23 =	vmov v11  }
0x23e: {  	v24 =	vmovc v10;
	v27 =	vmovc v9;
	v31 =	vmov v8;
	v28 =	vmov v15;
	v30 =	vmov v14  }
.LBB2_10:
.Ltmp46:
0x23f: {  	(pc) =	sbr.rel .LBB2_22-.Ltmp46, $3  }
0x240: {  	_ =	sdelay $0x1  }
0x241: {  	v18 =	vmovc v13;
	vm4 =	vmmov vm3;
	v21 =	vmov v12;
	v23 =	vmov v11  }
0x242: {  	v24 =	vmovc v10;
	v27 =	vmovc v9;
	v31 =	vmov v8;
	v28 =	vmov v15;
	v30 =	vmov v14  }
.LBB2_27:
.Ltmp47:
0x243: {  	(pc) =	sbr.rel .LBB2_39-.Ltmp47, $3  }
0x244: {  	_ =	sdelay $0x1  }
0x245: {  	v18 =	vmovc v13;
	vm3 =	vmmov vm2;
	v21 =	vmov v12;
	v23 =	vmov v11  }
0x246: {  	v24 =	vmovc v10;
	v27 =	vmovc v9;
	v31 =	vmov v8;
	v28 =	vmov v15;
	v30 =	vmov v14  }
.LBB2_44:
.Ltmp48:
0x247: {  	(pc) =	sbr.rel .LBB2_56-.Ltmp48, $3  }
0x248: {  	_ =	sdelay $0x1  }
0x249: {  	v18 =	vmovc v13;
	vm2 =	vmmov vm1;
	v21 =	vmov v12;
	v23 =	vmov v11  }
0x24a: {  	v24 =	vmovc v10;
	v27 =	vmovc v9;
	v31 =	vmov v8;
	v28 =	vmov v15;
	v30 =	vmov v14  }
.LBB2_58:
.Ltmp49:
0x24b: {  	(pc) =	sbr.rel .LBB2_70-.Ltmp49, $3  }
0x24c: {  	_ =	sdelay $0x1  }
0x24d: {  	v18 =	vmovc v13;
	vm1 =	vmmov vm0;
	v21 =	vmov v12;
	v23 =	vmov v11  }
0x24e: {  	v24 =	vmovc v10;
	v27 =	vmovc v9;
	v31 =	vmov v8;
	v28 =	vmov v15;
	v30 =	vmov v14  }
.LBB2_12:
.Ltmp50:
0x24f: {  	(pc) =	sbr.rel .LBB2_22-.Ltmp50, $3  }
0x250: {  	_ =	sdelay $0x1  }
0x251: {  	v18 =	vmovc v13;
	vm4 =	vmmov vm3;
	v21 =	vmov v12;
	v23 =	vmov v11  }
0x252: {  	v24 =	vmovc v10;
	v27 =	vmovc v9;
	v31 =	vmov v8;
	v28 =	vmov v15;
	v30 =	vmov v14  }
.LBB2_29:
.Ltmp51:
0x253: {  	(pc) =	sbr.rel .LBB2_39-.Ltmp51, $3  }
0x254: {  	_ =	sdelay $0x1  }
0x255: {  	v18 =	vmovc v13;
	vm3 =	vmmov vm2;
	v21 =	vmov v12;
	v23 =	vmov v11  }
0x256: {  	v24 =	vmovc v10;
	v27 =	vmovc v9;
	v31 =	vmov v8;
	v28 =	vmov v15;
	v30 =	vmov v14  }
.LBB2_46:
.Ltmp52:
0x257: {  	(pc) =	sbr.rel .LBB2_56-.Ltmp52, $3  }
0x258: {  	_ =	sdelay $0x1  }
0x259: {  	v18 =	vmovc v13;
	vm2 =	vmmov vm1;
	v21 =	vmov v12;
	v23 =	vmov v11  }
0x25a: {  	v24 =	vmovc v10;
	v27 =	vmovc v9;
	v31 =	vmov v8;
	v28 =	vmov v15;
	v30 =	vmov v14  }
.LBB2_60:
.Ltmp53:
0x25b: {  	(pc) =	sbr.rel .LBB2_70-.Ltmp53, $3  }
0x25c: {  	_ =	sdelay $0x1  }
0x25d: {  	v18 =	vmovc v13;
	vm1 =	vmmov vm0;
	v21 =	vmov v12;
	v23 =	vmov v11  }
0x25e: {  	v24 =	vmovc v10;
	v27 =	vmovc v9;
	v31 =	vmov v8;
	v28 =	vmov v15;
	v30 =	vmov v14  }
.LBB2_14:
.Ltmp54:
0x25f: {  	(pc) =	sbr.rel .LBB2_22-.Ltmp54, $3  }
0x260: {  	_ =	sdelay $0x1  }
0x261: {  	v18 =	vmovc v13;
	vm4 =	vmmov vm3;
	v21 =	vmov v12;
	v23 =	vmov v11  }
0x262: {  	v24 =	vmovc v10;
	v27 =	vmovc v9;
	v31 =	vmov v8;
	v28 =	vmov v15;
	v30 =	vmov v14  }
.LBB2_31:
.Ltmp55:
0x263: {  	(pc) =	sbr.rel .LBB2_39-.Ltmp55, $3  }
0x264: {  	_ =	sdelay $0x1  }
0x265: {  	v18 =	vmovc v13;
	vm3 =	vmmov vm2;
	v21 =	vmov v12;
	v23 =	vmov v11  }
0x266: {  	v24 =	vmovc v10;
	v27 =	vmovc v9;
	v31 =	vmov v8;
	v28 =	vmov v15;
	v30 =	vmov v14  }
.LBB2_48:
.Ltmp56:
0x267: {  	(pc) =	sbr.rel .LBB2_56-.Ltmp56, $3  }
0x268: {  	_ =	sdelay $0x1  }
0x269: {  	v18 =	vmovc v13;
	vm2 =	vmmov vm1;
	v21 =	vmov v12;
	v23 =	vmov v11  }
0x26a: {  	v24 =	vmovc v10;
	v27 =	vmovc v9;
	v31 =	vmov v8;
	v28 =	vmov v15;
	v30 =	vmov v14  }
.LBB2_62:
.Ltmp57:
0x26b: {  	(pc) =	sbr.rel .LBB2_70-.Ltmp57, $3  }
0x26c: {  	_ =	sdelay $0x1  }
0x26d: {  	v18 =	vmovc v13;
	vm1 =	vmmov vm0;
	v21 =	vmov v12;
	v23 =	vmov v11  }
0x26e: {  	v24 =	vmovc v10;
	v27 =	vmovc v9;
	v31 =	vmov v8;
	v28 =	vmov v15;
	v30 =	vmov v14  }
.LBB2_16:
.Ltmp58:
0x26f: {  	(pc) =	sbr.rel .LBB2_22-.Ltmp58, $3  }
0x270: {  	_ =	sdelay $0x1  }
0x271: {  	v18 =	vmovc v13;
	v21 =	vmov v12;
	v23 =	vmov v11;
	v24 =	vmov v10  }
0x272: {  	v27 =	vmovc v9;
	v31 =	vmovc v8;
	v28 =	vmov v15;
	v30 =	vmov v14;
	v19 =	vmov v16  }
.LBB2_33:
.Ltmp59:
0x273: {  	(pc) =	sbr.rel .LBB2_39-.Ltmp59, $3  }
0x274: {  	_ =	sdelay $0x1  }
0x275: {  	v18 =	vmovc v13;
	v21 =	vmov v12;
	v23 =	vmov v11;
	v24 =	vmov v10  }
0x276: {  	v27 =	vmovc v9;
	v31 =	vmovc v8;
	v28 =	vmov v15;
	v30 =	vmov v14;
	v19 =	vmov v16  }
.LBB2_50:
.Ltmp60:
0x277: {  	(pc) =	sbr.rel .LBB2_56-.Ltmp60, $3  }
0x278: {  	_ =	sdelay $0x1  }
0x279: {  	v18 =	vmovc v13;
	v21 =	vmov v12;
	v23 =	vmov v11;
	v24 =	vmov v10  }
0x27a: {  	v27 =	vmovc v9;
	v31 =	vmovc v8;
	v28 =	vmov v15;
	v30 =	vmov v14;
	v19 =	vmov v16  }
.LBB2_64:
.Ltmp61:
0x27b: {  	(pc) =	sbr.rel .LBB2_70-.Ltmp61, $3  }
0x27c: {  	_ =	sdelay $0x1  }
0x27d: {  	v18 =	vmovc v13;
	v21 =	vmov v12;
	v23 =	vmov v11;
	v24 =	vmov v10  }
0x27e: {  	v27 =	vmovc v9;
	v31 =	vmovc v8;
	v28 =	vmov v15;
	v30 =	vmov v14;
	v19 =	vmov v16  }
.LBB2_18:
.Ltmp62:
0x27f: {  	(pc) =	sbr.rel .LBB2_22-.Ltmp62, $3  }
0x280: {  	_ =	sdelay $0x1  }
0x281: {  	v18 =	vmovc v13;
	v21 =	vmov v12;
	v23 =	vmov v11;
	v24 =	vmov v10;
	_ =	sdelay $0x1  }
0x282: {  	s28 =	smov.u32 s29;
	v27 =	vmovc v9;
	v31 =	vmovc v8;
	v28 =	vmov v15;
	v30 =	vmov v14;
	v19 =	vmov v26  }
.LBB2_35:
.Ltmp63:
0x283: {  	(pc) =	sbr.rel .LBB2_39-.Ltmp63, $3  }
0x284: {  	_ =	sdelay $0x1  }
0x285: {  	v18 =	vmovc v13;
	v21 =	vmov v12;
	v23 =	vmov v11;
	v24 =	vmov v10;
	_ =	sdelay $0x1  }
0x286: {  	s29 =	smov.u32 s30;
	v27 =	vmovc v9;
	v31 =	vmovc v8;
	v28 =	vmov v15;
	v30 =	vmov v14;
	v19 =	vmov v26  }
.LBB2_52:
.Ltmp64:
0x287: {  	(pc) =	sbr.rel .LBB2_56-.Ltmp64, $3  }
0x288: {  	_ =	sdelay $0x1  }
0x289: {  	v18 =	vmovc v13;
	v21 =	vmov v12;
	v23 =	vmov v11;
	v24 =	vmov v10;
	_ =	sdelay $0x1  }
0x28a: {  	s29 =	smov.u32 s30;
	v27 =	vmovc v9;
	v31 =	vmovc v8;
	v28 =	vmov v15;
	v30 =	vmov v14;
	v19 =	vmov v26  }
.LBB2_66:
.Ltmp65:
0x28b: {  	(pc) =	sbr.rel .LBB2_70-.Ltmp65, $3  }
0x28c: {  	_ =	sdelay $0x1  }
0x28d: {  	v18 =	vmovc v13;
	v21 =	vmov v12;
	v23 =	vmov v11;
	v24 =	vmov v10;
	_ =	sdelay $0x1  }
0x28e: {  	s28 =	smov.u32 s29;
	v27 =	vmovc v9;
	v31 =	vmovc v8;
	v28 =	vmov v15;
	v30 =	vmov v14;
	v19 =	vmov v26  }
.LBB2_20:
.Ltmp66:
0x28f: {  	(pc) =	sbr.rel .LBB2_22-.Ltmp66, $3  }
0x290: {  	_ =	sdelay $0x1  }
0x291: {  	v18 =	vmov v13  }
0x292: {  	v21 =	vmovc v12;
	v23 =	vmovc v11;
	v24 =	vmov v10;
	v27 =	vmov v9;
	v31 =	vmov v8  }
.LBB2_37:
.Ltmp67:
0x293: {  	(pc) =	sbr.rel .LBB2_39-.Ltmp67, $3  }
0x294: {  	_ =	sdelay $0x1  }
0x295: {  	v18 =	vmov v13  }
0x296: {  	v21 =	vmovc v12;
	v23 =	vmovc v11;
	v24 =	vmov v10;
	v27 =	vmov v9;
	v31 =	vmov v8  }
.LBB2_54:
.Ltmp68:
0x297: {  	(pc) =	sbr.rel .LBB2_56-.Ltmp68, $3  }
0x298: {  	_ =	sdelay $0x1  }
0x299: {  	v18 =	vmov v13  }
0x29a: {  	v21 =	vmovc v12;
	v23 =	vmovc v11;
	v24 =	vmov v10;
	v27 =	vmov v9;
	v31 =	vmov v8  }
.LBB2_68:
.Ltmp69:
0x29b: {  	(pc) =	sbr.rel .LBB2_70-.Ltmp69, $3  }
0x29c: {  	_ =	sdelay $0x1  }
0x29d: {  	v18 =	vmov v13  }
0x29e: {  	v21 =	vmovc v12;
	v23 =	vmovc v11;
	v24 =	vmov v10;
	v27 =	vmov v9;
	v31 =	vmov v8  }
.LBB2_74:
0x29f: {  	_ =	sfence.sel $0x180000  }
0x2a0: {  	[bflag:$0x0] =	sbarrier.arrive $0xFFFF  }
0x2a1: {  	_ =	strace $0x90000047  }
0x2a2: {  	[bflag:$0x2] =	sbarrier.arrive $0xFFFF  }
0x2a3: {  	p0 =	sne.s32 s2, $0x0;
	s0 =	rddreg [dreg:$0x2]  }
0x2a4: {  	s0 =	sadd.s32 @!p0 $0x100000, s0  }
0x2a5: {  	[sflag:s0] =	ssyncadd.tile.s32 @!p0 $0x1;
	_ =	shalt  }
.Lfunc_end2:
_tile_overlayer_lowered:
.L_overlay_start_2:
0x2a6: {  	(tag) =	ssettag $0x2  }
0x2a7: {  	s0 =	rddreg [dreg:$0x0];
	s2 =	stileid.u32  }
0x2a8: {  	s1 =	rddreg [dreg:$0x1];
	p0 =	sne.s32 s2, $0x0  }
0x2a9: {  	s3 =	rddreg [dreg:$0x2];
	[bflag:$0x3] =	sbarrier.arrive $0xFFFF;
	s2 =	simm.s32 @!p0 $0x1C02  }
0x2aa: {  	[timem:s3], [sflag:s2] =	dma.local @!p0 [hbm:s0], s1  }
0x2ab: {  	s0 =	simm.s32 @!p0 $0x2  }
0x2ac: {  	_ =	swait.ge @!p0 [sflag:s0], s1  }
0x2ad: {  	s1 =	ssub.s32 @!p0 $0x0, s1;
	[sflag:s0] =	ssyncset.done @!p0 $0x0  }
0x2ae: {  	[sflag:s0] =	ssyncadd.s32 @!p0 s1  }
0x2af: {  	[bflag:$0x3] =	sbarrier.arrive $0xFFFF  }
0x2b0: {  	_ =	shalt  }

</sc_bundles>
